<compile_context>
chip_gen: v7x
topology: tpu7x:2x2x1
jax: 0.10.2.dev20260603
libtpu: 0.0.44.dev20260713+nightly
codegen_flags: <defaults>
</compile_context>

<pallas_src>
import dataclasses
import functools

import jax
import jax.numpy as jnp
from jax import lax
from jax.experimental import pallas as pl
from jax.experimental.pallas import tpu as pltpu
from jax.experimental.pallas import tpu_sc as plsc

N = 10000
D = 128
E = 320000

NC = 2
NS = 16
NW = NC * NS
B = 128
CT0 = 105
CT1 = 53
E_PAD = NS * (CT0 + CT1) * B
NP = 10112
RPT = NP // NS


def _sc_segsum(x, src, dst, zeros_acc, with_deg):
    mesh = plsc.VectorSubcoreMesh(core_axis_name="c", subcore_axis_name="s")
    cp = pltpu.CompilerParams()
    if "needs_layout_passes" in pltpu.CompilerParams.__dataclass_fields__:
        cp = dataclasses.replace(cp, needs_layout_passes=False)

    out_type = [jax.ShapeDtypeStruct((NC * NP, D), jnp.float32)]
    scratch = [
        pltpu.VMEM((B,), jnp.int32),
        pltpu.VMEM((B,), jnp.int32),
        pltpu.VMEM((B, D), jnp.float32),
        pltpu.VMEM_SHARED((NP, D), jnp.float32),
        pltpu.SemaphoreType.DMA,
    ]
    if with_deg:
        out_type.append(jax.ShapeDtypeStruct((NW * NP,), jnp.float32))
        scratch.append(pltpu.VMEM((NP,), jnp.float32))

    @functools.partial(
        pl.kernel, mesh=mesh, out_type=out_type, scratch_types=scratch,
        compiler_params=cp)
    def run(*refs):
        if with_deg:
            (x_hbm, src_hbm, dst_hbm, zacc_hbm, out_hbm, deg_hbm,
             src_v, dst_v, rows_v, acc_sh, sem, cnt_v) = refs
        else:
            (x_hbm, src_hbm, dst_hbm, zacc_hbm,
             out_hbm, src_v, dst_v, rows_v, acc_sh, sem) = refs

        cid = lax.axis_index("c")
        sid = lax.axis_index("s")
        wid = sid * NC + cid
        r0 = sid * RPT
        base = jnp.where(cid == 0, sid * CT0 * B,
                         (NS * CT0 + sid * CT1) * B)

        if with_deg:
            z = jnp.zeros((16,), jnp.float32)

            @pl.loop(0, NP, step=16)
            def _(j):
                cnt_v[pl.ds(j, 16)] = z

        pltpu.sync_copy(zacc_hbm.at[pl.ds(r0, RPT)], acc_sh.at[pl.ds(r0, RPT)])
        plsc.subcore_barrier()

        def chunk_loop(n_chunks):
            @pl.loop(0, n_chunks)
            def _(c):
                off = base + c * B
                pltpu.sync_copy(src_hbm.at[pl.ds(off, B)], src_v)
                pltpu.sync_copy(dst_hbm.at[pl.ds(off, B)], dst_v)
                pltpu.async_copy(x_hbm.at[src_v], rows_v, sem).wait()
                pltpu.sync_copy(rows_v, acc_sh.at[dst_v], add=True)
                if with_deg:
                    one = jnp.ones((16,), jnp.float32)

                    @pl.loop(0, B, step=16)
                    def _(j):
                        idx = dst_v[pl.ds(j, 16)]
                        plsc.addupdate_scatter(cnt_v, [idx], one)

        @pl.when(cid == 0)
        def _():
            chunk_loop(CT0)

        @pl.when(cid == 1)
        def _():
            chunk_loop(CT1)

        plsc.subcore_barrier()

        pltpu.sync_copy(acc_sh.at[pl.ds(r0, RPT)],
                        out_hbm.at[pl.ds(cid * NP + r0, RPT)])
        if with_deg:
            pltpu.sync_copy(cnt_v, deg_hbm.at[pl.ds(wid * NP, NP)])

    if with_deg:
        return tuple(run(x, src, dst, zeros_acc))
    (res,) = run(x, src, dst, zeros_acc)
    return res


_dotp = functools.partial(jnp.dot, preferred_element_type=jnp.float32,
                          precision=lax.Precision.HIGHEST)
_R = 2000


def _root_mm(xin, wr_t, bias):
    def body(x_ref, wr_ref, b_ref, o_ref):
        o_ref[...] = _dotp(x_ref[...], wr_ref[...]) + b_ref[...]

    return pl.pallas_call(
        body,
        grid=(N // _R,),
        in_specs=[
            pl.BlockSpec((_R, D), lambda i: (i, 0)),
            pl.BlockSpec((D, D), lambda i: (0, 0)),
            pl.BlockSpec((1, D), lambda i: (0, 0)),
        ],
        out_specs=pl.BlockSpec((_R, D), lambda i: (i, 0)),
        out_shape=jax.ShapeDtypeStruct((N, D), jnp.float32),
    )(xin, wr_t, bias)


def _combine(sums, degp, xr, wl_t, relu):
    def body(s_ref, d_ref, xr_ref, wl_ref, o_ref):
        s = s_ref[0] + s_ref[1]
        cnt = jnp.sum(d_ref[...], axis=1)[:, None]
        mean = s / jnp.maximum(cnt, 1.0)
        acc = _dotp(mean, wl_ref[...]) + xr_ref[...]
        if relu:
            acc = jnp.maximum(acc, 0.0)
        o_ref[...] = acc

    return pl.pallas_call(
        body,
        grid=(N // _R,),
        in_specs=[
            pl.BlockSpec((2, _R, D), lambda i: (0, i, 0)),
            pl.BlockSpec((_R, NW), lambda i: (i, 0)),
            pl.BlockSpec((_R, D), lambda i: (i, 0)),
            pl.BlockSpec((D, D), lambda i: (0, 0)),
        ],
        out_specs=pl.BlockSpec((_R, D), lambda i: (i, 0)),
        out_shape=jax.ShapeDtypeStruct((N, D), jnp.float32),
    )(sums, degp, xr, wl_t)


def kernel(x, adj_t, W1l, W1r, b1, W2l, W2r, b2):
    src = adj_t[0].astype(jnp.int32)
    dst = adj_t[1].astype(jnp.int32)
    pad = E_PAD - E
    src_p = jnp.concatenate([src, jnp.zeros((pad,), jnp.int32)])
    dst_p = jnp.concatenate([dst, jnp.full((pad,), N, jnp.int32)])

    zeros_acc = jnp.zeros((NP, D), jnp.float32)

    xr1 = _root_mm(x, W1r.T, b1.reshape(1, D))
    sum1, deg = _sc_segsum(x, src_p, dst_p, zeros_acc, True)
    sum1 = sum1.reshape(NC, NP, D)
    degp = deg.reshape(NW, NP).T
    h = _combine(sum1, degp, xr1, W1l.T, relu=True)

    xr2 = _root_mm(h, W2r.T, b2.reshape(1, D))
    sum2 = _sc_segsum(h, src_p, dst_p, zeros_acc, False)
    sum2 = sum2.reshape(NC, NP, D)
    out = _combine(sum2, degp, xr2, W2l.T, relu=False)
    return out

# --- scband reference (transcript-rebuilt; emitter-appended) ---
"""Pipeline reference for scband-gnn-56762287784201 (READ-ONLY COPY).

The authoritative reference and input builder live on the scoring server;
editing this copy changes nothing except your own understanding.
"""

import jax, jax.numpy as jnp
import numpy as np

N = 10000
E = 320000
D_IN = 128
D_HID = 128
D_OUT = 128


def _glorot(key, shape):
    fan_in, fan_out = shape[1], shape[0]
    limit = np.sqrt(6.0 / (fan_in + fan_out))
    return jax.random.uniform(key, shape, dtype=jnp.float32, minval=-limit, maxval=limit)


def setup_inputs(seed: int = 0) -> dict:
    key = jax.random.key(seed)
    ks = jax.random.split(key, 8)
    x = jax.random.normal(ks[0], (N, D_IN), dtype=jnp.float32)
    edge_index = jax.random.randint(ks[1], (2, E), 0, N, dtype=jnp.int32)
    # SAGEConv layer 1: lin_l (neighbor aggr), lin_r (root), bias
    W1l = _glorot(ks[2], (D_HID, D_IN))
    W1r = _glorot(ks[3], (D_HID, D_IN))
    b1 = jnp.zeros((D_HID,), dtype=jnp.float32)
    # SAGEConv layer 2
    W2l = _glorot(ks[4], (D_OUT, D_HID))
    W2r = _glorot(ks[5], (D_OUT, D_HID))
    b2 = jnp.zeros((D_OUT,), dtype=jnp.float32)
    return {"x": x, "adj_t": edge_index, "W1l": W1l, "W1r": W1r, "b1": b1,
            "W2l": W2l, "W2r": W2r, "b2": b2}


def _sage_conv(x, src, dst, Wl, Wr, b, n_nodes):
    # message = x_j (gather from source), aggregate = mean over destination
    msgs = jnp.take(x, src, axis=0)
    summed = jax.ops.segment_sum(msgs, dst, num_segments=n_nodes)
    cnt = jax.ops.segment_sum(jnp.ones((src.shape[0],), dtype=x.dtype), dst,
                              num_segments=n_nodes)
    mean = summed / jnp.clip(cnt, 1.0)[:, None]
    return mean @ Wl.T + x @ Wr.T + b


def reference(x, adj_t, W1l, W1r, b1, W2l, W2r, b2):
    src = adj_t[0]
    dst = adj_t[1]
    # GraphSAGE(num_layers=2, norm=None, dropout=0.0, jk=None):
    # conv1 -> relu -> conv2 (plain last layer); plain_last=True in wrapper.
    h = _sage_conv(x, src, dst, W1l, W1r, b1, N)
    h = jax.nn.relu(h)
    out = _sage_conv(h, src, dst, W2l, W2r, b2, N)
    return out

if __name__ == "__main__":
    import jax
    _d = setup_inputs()
    print(jax.jit(kernel)(*tuple(_d.values())))

</pallas_src>

<mosaic_0001>
#map = affine_map<(d0, d1) -> (0, 0)>
#map1 = affine_map<(d0, d1) -> (0)>
module attributes {stable_mosaic.version = 14 : i64} {
  func.func @run(%arg0: i32, %arg1: i32, %arg2: memref<10000x128xf32, #tpu.memory_space<hbm>>, %arg3: memref<323584xi32, #tpu.memory_space<hbm>>, %arg4: memref<323584xi32, #tpu.memory_space<hbm>>, %arg5: memref<10112x128xf32, #tpu.memory_space<hbm>>, %arg6: memref<20224x128xf32, #tpu.memory_space<hbm>>, %arg7: memref<323584xf32, #tpu.memory_space<hbm>>, %arg8: memref<128xi32, #tpu.memory_space<vmem>>, %arg9: memref<128xi32, #tpu.memory_space<vmem>>, %arg10: memref<128x128xf32, #tpu.memory_space<vmem>>, %arg11: memref<10112x128xf32, #tpu.memory_space<vmem_shared>>, %arg12: memref<!tpu.dma_semaphore, #tpu.memory_space<semaphore_mem>>, %arg13: memref<10112xf32, #tpu.memory_space<vmem>>) attributes {dimension_semantics = [#tpu.dimension_semantics<core_parallel>, #tpu.dimension_semantics<subcore_parallel>], iteration_bounds = array<i64: 2, 16>, scalar_prefetch = 0 : i64, scratch_operands = 6 : i64, tpu.core_type = #tpu.core_type<sc_vector_subcore>, window_params = [{transform_indices = #map}, {transform_indices = #map1}, {transform_indices = #map1}, {transform_indices = #map}, {transform_indices = #map}, {transform_indices = #map1}]} {
    %mul3A = arith.constant 2 : i32
    %mul3A_0 = arith.muli %arg1, %mul3A : i32
    %add3A = arith.addi %mul3A_0, %arg0 : i32
    %mul3A_1 = arith.constant 632 : i32
    %mul3A_2 = arith.muli %arg1, %mul3A_1 : i32
    %eq3A = arith.constant 0 : i32
    %eq3A_3 = arith.cmpi eq, %arg0, %eq3A : i32
    %mul3A_4 = arith.constant 105 : i32
    %mul3A_5 = arith.muli %arg1, %mul3A_4 : i32
    %mul3A_6 = arith.constant 128 : i32
    %mul3A_7 = arith.muli %mul3A_5, %mul3A_6 : i32
    %mul3A_8 = arith.constant 53 : i32
    %mul3A_9 = arith.muli %arg1, %mul3A_8 : i32
    %add3A_10 = arith.constant 1680 : i32
    %add3A_11 = arith.addi %add3A_10, %mul3A_9 : i32
    %mul3A_12 = arith.constant 128 : i32
    %mul3A_13 = arith.muli %add3A_11, %mul3A_12 : i32
    %select_n3A = arith.select %eq3A_3, %mul3A_7, %mul3A_13 : i32
    %broadcast_in_dim3A = arith.constant 0.000000e+00 : f32
    %broadcast_in_dim3A_14 = vector.broadcast %broadcast_in_dim3A : f32 to vector<16xf32>
    %scan3A = arith.constant 0 : i32
    %scan3A_15 = arith.constant 632 : i32
    %scan3A_16 = arith.addi %scan3A, %scan3A_15 : i32
    %scan3A_17 = arith.constant 1 : i32
    scf.for %scan3A_33 = %scan3A to %scan3A_16 step %scan3A_17  : i32 {
      %mul3A_34 = arith.constant 16 : i32
      %mul3A_35 = arith.muli %scan3A_33, %mul3A_34 : i32
      %add3A_36 = arith.constant 0 : i32
      %add3A_37 = arith.addi %add3A_36, %mul3A_35 : i32
      %swap3A = arith.index_cast %add3A_37 : i32 to index
      %swap3A_38 = tpu.vector_load %arg13[%swap3A] {strides = array<i32>} : memref<10112xf32, #tpu.memory_space<vmem>>, vector<16xf32>,
      tpu.vector_store %arg13[%swap3A], %broadcast_in_dim3A_14 {strides = array<i32>} : memref<10112xf32, #tpu.memory_space<vmem>>, vector<16xf32>,
    }
    %scan3A_18 = arith.constant 632 : i32
    "tpu.region"() ({
      %run_scoped3A = tpu.sem_alloc : memref<!tpu.dma_semaphore, #tpu.memory_space<semaphore_mem>>
      %dma_start3A = arith.constant 0 : i32
      %dma_start3A_33 = tpu.memref_slice %arg11[%mul3A_2, %dma_start3A] : memref<10112x128xf32, #tpu.memory_space<vmem_shared>> -> memref<632x128xf32, #tpu.memory_space<vmem_shared>>
      %dma_start3A_34 = arith.constant 0 : i32
      %dma_start3A_35 = tpu.memref_slice %arg5[%mul3A_2, %dma_start3A_34] : memref<10112x128xf32, #tpu.memory_space<hbm>> -> memref<632x128xf32, #tpu.memory_space<hbm>>
      tpu.enqueue_dma source(%dma_start3A_35 : memref<632x128xf32, #tpu.memory_space<hbm>>) target(%dma_start3A_33 : memref<632x128xf32, #tpu.memory_space<vmem_shared>>) target_semaphore(%run_scoped3A : memref<!tpu.dma_semaphore, #tpu.memory_space<semaphore_mem>>)
      %dma_wait3A = arith.constant 0 : i32
      %dma_wait3A_36 = tpu.memref_slice %arg11[%mul3A_2, %dma_wait3A] : memref<10112x128xf32, #tpu.memory_space<vmem_shared>> -> memref<632x128xf32, #tpu.memory_space<vmem_shared>>
      %dma_wait3A_37 = arith.constant 0 : i32
      %dma_wait3A_38 = tpu.memref_slice %arg5[%mul3A_2, %dma_wait3A_37] : memref<10112x128xf32, #tpu.memory_space<hbm>> -> memref<632x128xf32, #tpu.memory_space<hbm>>
      tpu.wait_dma2 semaphore(%run_scoped3A : memref<!tpu.dma_semaphore, #tpu.memory_space<semaphore_mem>>) src(%dma_wait3A_38 : memref<632x128xf32, #tpu.memory_space<hbm>>) dst(%dma_wait3A_36 : memref<632x128xf32, #tpu.memory_space<vmem_shared>>)
      tpu.yield
    }) : () -> ()
    %barrier3A = arith.constant 0 : index
    tpu.barrier barrier_id(%barrier3A)
    %eq3A_19 = arith.constant 0 : i32
    %eq3A_20 = arith.cmpi eq, %arg0, %eq3A_19 : i32
    %convert_element_type3A = arith.extui %eq3A_20 : i1 to i32
    %cond3A = arith.constant 0 : i32
    %cond3A_21 = arith.cmpi ne, %convert_element_type3A, %cond3A : i32
    scf.if %cond3A_21 {
      %scan3A_33 = arith.constant 0 : i32
      %scan3A_34 = arith.constant 105 : i32
      %scan3A_35 = arith.addi %scan3A_33, %scan3A_34 : i32
      %scan3A_36 = arith.constant 1 : i32
      scf.for %scan3A_38 = %scan3A_33 to %scan3A_35 step %scan3A_36  : i32 {
        %mul3A_39 = arith.constant 1 : i32
        %mul3A_40 = arith.muli %scan3A_38, %mul3A_39 : i32
        %add3A_41 = arith.constant 0 : i32
        %add3A_42 = arith.addi %add3A_41, %mul3A_40 : i32
        %mul3A_43 = arith.constant 128 : i32
        %mul3A_44 = arith.muli %add3A_42, %mul3A_43 : i32
        %add3A_45 = arith.addi %select_n3A, %mul3A_44 : i32
        "tpu.region"() ({
          %run_scoped3A = tpu.sem_alloc : memref<!tpu.dma_semaphore, #tpu.memory_space<semaphore_mem>>
          %dma_start3A_57 = tpu.memref_slice %arg3[%add3A_45] : memref<323584xi32, #tpu.memory_space<hbm>> -> memref<128xi32, #tpu.memory_space<hbm>>
          %dma_start3A_58 = tpu.memref_slice %arg3[%add3A_45] : memref<323584xi32, #tpu.memory_space<hbm>> -> memref<128xi32, #tpu.memory_space<hbm>>
          tpu.enqueue_dma source(%dma_start3A_58 : memref<128xi32, #tpu.memory_space<hbm>>) target(%arg8 : memref<128xi32, #tpu.memory_space<vmem>>) target_semaphore(%run_scoped3A : memref<!tpu.dma_semaphore, #tpu.memory_space<semaphore_mem>>)
          %dma_wait3A_59 = tpu.memref_slice %arg3[%add3A_45] : memref<323584xi32, #tpu.memory_space<hbm>> -> memref<128xi32, #tpu.memory_space<hbm>>
          %dma_wait3A_60 = tpu.memref_slice %arg3[%add3A_45] : memref<323584xi32, #tpu.memory_space<hbm>> -> memref<128xi32, #tpu.memory_space<hbm>>
          tpu.wait_dma2 semaphore(%run_scoped3A : memref<!tpu.dma_semaphore, #tpu.memory_space<semaphore_mem>>) src(%dma_wait3A_60 : memref<128xi32, #tpu.memory_space<hbm>>) dst(%arg8 : memref<128xi32, #tpu.memory_space<vmem>>)
          tpu.yield
        }) : () -> ()
        "tpu.region"() ({
          %run_scoped3A = tpu.sem_alloc : memref<!tpu.dma_semaphore, #tpu.memory_space<semaphore_mem>>
          %dma_start3A_57 = tpu.memref_slice %arg4[%add3A_45] : memref<323584xi32, #tpu.memory_space<hbm>> -> memref<128xi32, #tpu.memory_space<hbm>>
          %dma_start3A_58 = tpu.memref_slice %arg4[%add3A_45] : memref<323584xi32, #tpu.memory_space<hbm>> -> memref<128xi32, #tpu.memory_space<hbm>>
          tpu.enqueue_dma source(%dma_start3A_58 : memref<128xi32, #tpu.memory_space<hbm>>) target(%arg9 : memref<128xi32, #tpu.memory_space<vmem>>) target_semaphore(%run_scoped3A : memref<!tpu.dma_semaphore, #tpu.memory_space<semaphore_mem>>)
          %dma_wait3A_59 = tpu.memref_slice %arg4[%add3A_45] : memref<323584xi32, #tpu.memory_space<hbm>> -> memref<128xi32, #tpu.memory_space<hbm>>
          %dma_wait3A_60 = tpu.memref_slice %arg4[%add3A_45] : memref<323584xi32, #tpu.memory_space<hbm>> -> memref<128xi32, #tpu.memory_space<hbm>>
          tpu.wait_dma2 semaphore(%run_scoped3A : memref<!tpu.dma_semaphore, #tpu.memory_space<semaphore_mem>>) src(%dma_wait3A_60 : memref<128xi32, #tpu.memory_space<hbm>>) dst(%arg9 : memref<128xi32, #tpu.memory_space<vmem>>)
          tpu.yield
        }) : () -> ()
        %dma_start3A = arith.constant 0 : i32
        %dma_start3A_46 = arith.constant 0 : i32
        %dma_start3A_47 = tpu.memref_slice %arg2[%dma_start3A, %dma_start3A_46] : memref<10000x128xf32, #tpu.memory_space<hbm>> -> memref<10000x128xf32, #tpu.memory_space<hbm>>
        tpu.enqueue_indirect_dma source(%dma_start3A_47 : memref<10000x128xf32, #tpu.memory_space<hbm>>) target(%arg10 : memref<128x128xf32, #tpu.memory_space<vmem>>) offsets(%arg8 : memref<128xi32, #tpu.memory_space<vmem>>) semaphore(%arg12 : memref<!tpu.dma_semaphore, #tpu.memory_space<semaphore_mem>>)
        %dma_wait3A = arith.constant 0 : i32
        %dma_wait3A_48 = arith.constant 0 : i32
        %dma_wait3A_49 = tpu.memref_slice %arg2[%dma_wait3A, %dma_wait3A_48] : memref<10000x128xf32, #tpu.memory_space<hbm>> -> memref<10000x128xf32, #tpu.memory_space<hbm>>
        tpu.wait_indirect_dma semaphore(%arg12 : memref<!tpu.dma_semaphore, #tpu.memory_space<semaphore_mem>>) src(%dma_wait3A_49 : memref<10000x128xf32, #tpu.memory_space<hbm>>) dst(%arg10 : memref<128x128xf32, #tpu.memory_space<vmem>>)
        "tpu.region"() ({
          %run_scoped3A = tpu.sem_alloc : memref<!tpu.dma_semaphore, #tpu.memory_space<semaphore_mem>>
          %dma_start3A_57 = arith.constant 0 : i32
          %dma_start3A_58 = arith.constant 0 : i32
          %dma_start3A_59 = tpu.memref_slice %arg11[%dma_start3A_57, %dma_start3A_58] : memref<10112x128xf32, #tpu.memory_space<vmem_shared>> -> memref<10112x128xf32, #tpu.memory_space<vmem_shared>>
          tpu.enqueue_indirect_dma source(%arg10 : memref<128x128xf32, #tpu.memory_space<vmem>>) target(%dma_start3A_59 : memref<10112x128xf32, #tpu.memory_space<vmem_shared>>) offsets(%arg9 : memref<128xi32, #tpu.memory_space<vmem>>) semaphore(%run_scoped3A : memref<!tpu.dma_semaphore, #tpu.memory_space<semaphore_mem>>) {add = true}
          %dma_wait3A_60 = arith.constant 0 : i32
          %dma_wait3A_61 = arith.constant 0 : i32
          %dma_wait3A_62 = tpu.memref_slice %arg11[%dma_wait3A_60, %dma_wait3A_61] : memref<10112x128xf32, #tpu.memory_space<vmem_shared>> -> memref<10112x128xf32, #tpu.memory_space<vmem_shared>>
          tpu.wait_indirect_dma semaphore(%run_scoped3A : memref<!tpu.dma_semaphore, #tpu.memory_space<semaphore_mem>>) src(%arg10 : memref<128x128xf32, #tpu.memory_space<vmem>>) dst(%dma_wait3A_62 : memref<10112x128xf32, #tpu.memory_space<vmem_shared>>)
          tpu.yield
        }) : () -> ()
        %broadcast_in_dim3A_50 = arith.constant 1.000000e+00 : f32
        %broadcast_in_dim3A_51 = vector.broadcast %broadcast_in_dim3A_50 : f32 to vector<16xf32>
        %scan3A_52 = arith.constant 0 : i32
        %scan3A_53 = arith.constant 8 : i32
        %scan3A_54 = arith.addi %scan3A_52, %scan3A_53 : i32
        %scan3A_55 = arith.constant 1 : i32
        scf.for %scan3A_57 = %scan3A_52 to %scan3A_54 step %scan3A_55  : i32 {
          %mul3A_58 = arith.constant 16 : i32
          %mul3A_59 = arith.muli %scan3A_57, %mul3A_58 : i32
          %add3A_60 = arith.constant 0 : i32
          %add3A_61 = arith.addi %add3A_60, %mul3A_59 : i32
          %get3A = arith.index_cast %add3A_61 : i32 to index
          %get3A_62 = tpu.vector_load %arg9[%get3A] {strides = array<i32>} : memref<128xi32, #tpu.memory_space<vmem>>, vector<16xi32>,
          tpu.vector_store_idx %arg13[%get3A_62], %broadcast_in_dim3A_51 {add = true} : memref<10112xf32, #tpu.memory_space<vmem>>[vector<16xi32>], vector<16xf32>,
        }
        %scan3A_56 = arith.constant 8 : i32
      }
      %scan3A_37 = arith.constant 105 : i32
    } else {
    }
    %eq3A_22 = arith.constant 1 : i32
    %eq3A_23 = arith.cmpi eq, %arg0, %eq3A_22 : i32
    %convert_element_type3A_24 = arith.extui %eq3A_23 : i1 to i32
    %cond3A_25 = arith.constant 0 : i32
    %cond3A_26 = arith.cmpi ne, %convert_element_type3A_24, %cond3A_25 : i32
    scf.if %cond3A_26 {
      %scan3A_33 = arith.constant 0 : i32
      %scan3A_34 = arith.constant 53 : i32
      %scan3A_35 = arith.addi %scan3A_33, %scan3A_34 : i32
      %scan3A_36 = arith.constant 1 : i32
      scf.for %scan3A_38 = %scan3A_33 to %scan3A_35 step %scan3A_36  : i32 {
        %mul3A_39 = arith.constant 1 : i32
        %mul3A_40 = arith.muli %scan3A_38, %mul3A_39 : i32
        %add3A_41 = arith.constant 0 : i32
        %add3A_42 = arith.addi %add3A_41, %mul3A_40 : i32
        %mul3A_43 = arith.constant 128 : i32
        %mul3A_44 = arith.muli %add3A_42, %mul3A_43 : i32
        %add3A_45 = arith.addi %select_n3A, %mul3A_44 : i32
        "tpu.region"() ({
          %run_scoped3A = tpu.sem_alloc : memref<!tpu.dma_semaphore, #tpu.memory_space<semaphore_mem>>
          %dma_start3A_57 = tpu.memref_slice %arg3[%add3A_45] : memref<323584xi32, #tpu.memory_space<hbm>> -> memref<128xi32, #tpu.memory_space<hbm>>
          %dma_start3A_58 = tpu.memref_slice %arg3[%add3A_45] : memref<323584xi32, #tpu.memory_space<hbm>> -> memref<128xi32, #tpu.memory_space<hbm>>
          tpu.enqueue_dma source(%dma_start3A_58 : memref<128xi32, #tpu.memory_space<hbm>>) target(%arg8 : memref<128xi32, #tpu.memory_space<vmem>>) target_semaphore(%run_scoped3A : memref<!tpu.dma_semaphore, #tpu.memory_space<semaphore_mem>>)
          %dma_wait3A_59 = tpu.memref_slice %arg3[%add3A_45] : memref<323584xi32, #tpu.memory_space<hbm>> -> memref<128xi32, #tpu.memory_space<hbm>>
          %dma_wait3A_60 = tpu.memref_slice %arg3[%add3A_45] : memref<323584xi32, #tpu.memory_space<hbm>> -> memref<128xi32, #tpu.memory_space<hbm>>
          tpu.wait_dma2 semaphore(%run_scoped3A : memref<!tpu.dma_semaphore, #tpu.memory_space<semaphore_mem>>) src(%dma_wait3A_60 : memref<128xi32, #tpu.memory_space<hbm>>) dst(%arg8 : memref<128xi32, #tpu.memory_space<vmem>>)
          tpu.yield
        }) : () -> ()
        "tpu.region"() ({
          %run_scoped3A = tpu.sem_alloc : memref<!tpu.dma_semaphore, #tpu.memory_space<semaphore_mem>>
          %dma_start3A_57 = tpu.memref_slice %arg4[%add3A_45] : memref<323584xi32, #tpu.memory_space<hbm>> -> memref<128xi32, #tpu.memory_space<hbm>>
          %dma_start3A_58 = tpu.memref_slice %arg4[%add3A_45] : memref<323584xi32, #tpu.memory_space<hbm>> -> memref<128xi32, #tpu.memory_space<hbm>>
          tpu.enqueue_dma source(%dma_start3A_58 : memref<128xi32, #tpu.memory_space<hbm>>) target(%arg9 : memref<128xi32, #tpu.memory_space<vmem>>) target_semaphore(%run_scoped3A : memref<!tpu.dma_semaphore, #tpu.memory_space<semaphore_mem>>)
          %dma_wait3A_59 = tpu.memref_slice %arg4[%add3A_45] : memref<323584xi32, #tpu.memory_space<hbm>> -> memref<128xi32, #tpu.memory_space<hbm>>
          %dma_wait3A_60 = tpu.memref_slice %arg4[%add3A_45] : memref<323584xi32, #tpu.memory_space<hbm>> -> memref<128xi32, #tpu.memory_space<hbm>>
          tpu.wait_dma2 semaphore(%run_scoped3A : memref<!tpu.dma_semaphore, #tpu.memory_space<semaphore_mem>>) src(%dma_wait3A_60 : memref<128xi32, #tpu.memory_space<hbm>>) dst(%arg9 : memref<128xi32, #tpu.memory_space<vmem>>)
          tpu.yield
        }) : () -> ()
        %dma_start3A = arith.constant 0 : i32
        %dma_start3A_46 = arith.constant 0 : i32
        %dma_start3A_47 = tpu.memref_slice %arg2[%dma_start3A, %dma_start3A_46] : memref<10000x128xf32, #tpu.memory_space<hbm>> -> memref<10000x128xf32, #tpu.memory_space<hbm>>
        tpu.enqueue_indirect_dma source(%dma_start3A_47 : memref<10000x128xf32, #tpu.memory_space<hbm>>) target(%arg10 : memref<128x128xf32, #tpu.memory_space<vmem>>) offsets(%arg8 : memref<128xi32, #tpu.memory_space<vmem>>) semaphore(%arg12 : memref<!tpu.dma_semaphore, #tpu.memory_space<semaphore_mem>>)
        %dma_wait3A = arith.constant 0 : i32
        %dma_wait3A_48 = arith.constant 0 : i32
        %dma_wait3A_49 = tpu.memref_slice %arg2[%dma_wait3A, %dma_wait3A_48] : memref<10000x128xf32, #tpu.memory_space<hbm>> -> memref<10000x128xf32, #tpu.memory_space<hbm>>
        tpu.wait_indirect_dma semaphore(%arg12 : memref<!tpu.dma_semaphore, #tpu.memory_space<semaphore_mem>>) src(%dma_wait3A_49 : memref<10000x128xf32, #tpu.memory_space<hbm>>) dst(%arg10 : memref<128x128xf32, #tpu.memory_space<vmem>>)
        "tpu.region"() ({
          %run_scoped3A = tpu.sem_alloc : memref<!tpu.dma_semaphore, #tpu.memory_space<semaphore_mem>>
          %dma_start3A_57 = arith.constant 0 : i32
          %dma_start3A_58 = arith.constant 0 : i32
          %dma_start3A_59 = tpu.memref_slice %arg11[%dma_start3A_57, %dma_start3A_58] : memref<10112x128xf32, #tpu.memory_space<vmem_shared>> -> memref<10112x128xf32, #tpu.memory_space<vmem_shared>>
          tpu.enqueue_indirect_dma source(%arg10 : memref<128x128xf32, #tpu.memory_space<vmem>>) target(%dma_start3A_59 : memref<10112x128xf32, #tpu.memory_space<vmem_shared>>) offsets(%arg9 : memref<128xi32, #tpu.memory_space<vmem>>) semaphore(%run_scoped3A : memref<!tpu.dma_semaphore, #tpu.memory_space<semaphore_mem>>) {add = true}
          %dma_wait3A_60 = arith.constant 0 : i32
          %dma_wait3A_61 = arith.constant 0 : i32
          %dma_wait3A_62 = tpu.memref_slice %arg11[%dma_wait3A_60, %dma_wait3A_61] : memref<10112x128xf32, #tpu.memory_space<vmem_shared>> -> memref<10112x128xf32, #tpu.memory_space<vmem_shared>>
          tpu.wait_indirect_dma semaphore(%run_scoped3A : memref<!tpu.dma_semaphore, #tpu.memory_space<semaphore_mem>>) src(%arg10 : memref<128x128xf32, #tpu.memory_space<vmem>>) dst(%dma_wait3A_62 : memref<10112x128xf32, #tpu.memory_space<vmem_shared>>)
          tpu.yield
        }) : () -> ()
        %broadcast_in_dim3A_50 = arith.constant 1.000000e+00 : f32
        %broadcast_in_dim3A_51 = vector.broadcast %broadcast_in_dim3A_50 : f32 to vector<16xf32>
        %scan3A_52 = arith.constant 0 : i32
        %scan3A_53 = arith.constant 8 : i32
        %scan3A_54 = arith.addi %scan3A_52, %scan3A_53 : i32
        %scan3A_55 = arith.constant 1 : i32
        scf.for %scan3A_57 = %scan3A_52 to %scan3A_54 step %scan3A_55  : i32 {
          %mul3A_58 = arith.constant 16 : i32
          %mul3A_59 = arith.muli %scan3A_57, %mul3A_58 : i32
          %add3A_60 = arith.constant 0 : i32
          %add3A_61 = arith.addi %add3A_60, %mul3A_59 : i32
          %get3A = arith.index_cast %add3A_61 : i32 to index
          %get3A_62 = tpu.vector_load %arg9[%get3A] {strides = array<i32>} : memref<128xi32, #tpu.memory_space<vmem>>, vector<16xi32>,
          tpu.vector_store_idx %arg13[%get3A_62], %broadcast_in_dim3A_51 {add = true} : memref<10112xf32, #tpu.memory_space<vmem>>[vector<16xi32>], vector<16xf32>,
        }
        %scan3A_56 = arith.constant 8 : i32
      }
      %scan3A_37 = arith.constant 53 : i32
    } else {
    }
    %barrier3A_27 = arith.constant 0 : index
    tpu.barrier barrier_id(%barrier3A_27)
    %mul3A_28 = arith.constant 10112 : i32
    %mul3A_29 = arith.muli %arg0, %mul3A_28 : i32
    %add3A_30 = arith.addi %mul3A_29, %mul3A_2 : i32
    "tpu.region"() ({
      %run_scoped3A = tpu.sem_alloc : memref<!tpu.dma_semaphore, #tpu.memory_space<semaphore_mem>>
      %dma_start3A = arith.constant 0 : i32
      %dma_start3A_33 = tpu.memref_slice %arg6[%add3A_30, %dma_start3A] : memref<20224x128xf32, #tpu.memory_space<hbm>> -> memref<632x128xf32, #tpu.memory_space<hbm>>
      %dma_start3A_34 = arith.constant 0 : i32
      %dma_start3A_35 = tpu.memref_slice %arg11[%mul3A_2, %dma_start3A_34] : memref<10112x128xf32, #tpu.memory_space<vmem_shared>> -> memref<632x128xf32, #tpu.memory_space<vmem_shared>>
      tpu.enqueue_dma source(%dma_start3A_35 : memref<632x128xf32, #tpu.memory_space<vmem_shared>>) target(%dma_start3A_33 : memref<632x128xf32, #tpu.memory_space<hbm>>) target_semaphore(%run_scoped3A : memref<!tpu.dma_semaphore, #tpu.memory_space<semaphore_mem>>)
      %dma_wait3A = arith.constant 0 : i32
      %dma_wait3A_36 = tpu.memref_slice %arg6[%add3A_30, %dma_wait3A] : memref<20224x128xf32, #tpu.memory_space<hbm>> -> memref<632x128xf32, #tpu.memory_space<hbm>>
      %dma_wait3A_37 = arith.constant 0 : i32
      %dma_wait3A_38 = tpu.memref_slice %arg11[%mul3A_2, %dma_wait3A_37] : memref<10112x128xf32, #tpu.memory_space<vmem_shared>> -> memref<632x128xf32, #tpu.memory_space<vmem_shared>>
      tpu.wait_dma2 semaphore(%run_scoped3A : memref<!tpu.dma_semaphore, #tpu.memory_space<semaphore_mem>>) src(%dma_wait3A_38 : memref<632x128xf32, #tpu.memory_space<vmem_shared>>) dst(%dma_wait3A_36 : memref<632x128xf32, #tpu.memory_space<hbm>>)
      tpu.yield
    }) : () -> ()
    %mul3A_31 = arith.constant 10112 : i32
    %mul3A_32 = arith.muli %add3A, %mul3A_31 : i32
    "tpu.region"() ({
      %run_scoped3A = tpu.sem_alloc : memref<!tpu.dma_semaphore, #tpu.memory_space<semaphore_mem>>
      %dma_start3A = tpu.memref_slice %arg7[%mul3A_32] : memref<323584xf32, #tpu.memory_space<hbm>> -> memref<10112xf32, #tpu.memory_space<hbm>>
      %dma_start3A_33 = tpu.memref_slice %arg7[%mul3A_32] : memref<323584xf32, #tpu.memory_space<hbm>> -> memref<10112xf32, #tpu.memory_space<hbm>>
      tpu.enqueue_dma source(%arg13 : memref<10112xf32, #tpu.memory_space<vmem>>) target(%dma_start3A_33 : memref<10112xf32, #tpu.memory_space<hbm>>) target_semaphore(%run_scoped3A : memref<!tpu.dma_semaphore, #tpu.memory_space<semaphore_mem>>)
      %dma_wait3A = tpu.memref_slice %arg7[%mul3A_32] : memref<323584xf32, #tpu.memory_space<hbm>> -> memref<10112xf32, #tpu.memory_space<hbm>>
      %dma_wait3A_34 = tpu.memref_slice %arg7[%mul3A_32] : memref<323584xf32, #tpu.memory_space<hbm>> -> memref<10112xf32, #tpu.memory_space<hbm>>
      tpu.wait_dma2 semaphore(%run_scoped3A : memref<!tpu.dma_semaphore, #tpu.memory_space<semaphore_mem>>) src(%arg13 : memref<10112xf32, #tpu.memory_space<vmem>>) dst(%dma_wait3A_34 : memref<10112xf32, #tpu.memory_space<hbm>>)
      tpu.yield
    }) : () -> ()
    return
  }
}

#map = affine_map<(d0, d1) -> (0, 0)>
#map1 = affine_map<(d0, d1) -> (0)>
module attributes {stable_mosaic.version = 14 : i64} {
  func.func @run(%arg0: i32, %arg1: i32, %arg2: memref<10000x128xf32, #tpu.memory_space<hbm>>, %arg3: memref<323584xi32, #tpu.memory_space<hbm>>, %arg4: memref<323584xi32, #tpu.memory_space<hbm>>, %arg5: memref<10112x128xf32, #tpu.memory_space<hbm>>, %arg6: memref<20224x128xf32, #tpu.memory_space<hbm>>, %arg7: memref<128xi32, #tpu.memory_space<vmem>>, %arg8: memref<128xi32, #tpu.memory_space<vmem>>, %arg9: memref<128x128xf32, #tpu.memory_space<vmem>>, %arg10: memref<10112x128xf32, #tpu.memory_space<vmem_shared>>, %arg11: memref<!tpu.dma_semaphore, #tpu.memory_space<semaphore_mem>>) attributes {dimension_semantics = [#tpu.dimension_semantics<core_parallel>, #tpu.dimension_semantics<subcore_parallel>], iteration_bounds = array<i64: 2, 16>, scalar_prefetch = 0 : i64, scratch_operands = 5 : i64, tpu.core_type = #tpu.core_type<sc_vector_subcore>, window_params = [{transform_indices = #map}, {transform_indices = #map1}, {transform_indices = #map1}, {transform_indices = #map}, {transform_indices = #map}]} {
    %mul3A = arith.constant 2 : i32
    %mul3A_0 = arith.muli %arg1, %mul3A : i32
    %add3A = arith.addi %mul3A_0, %arg0 : i32
    %mul3A_1 = arith.constant 632 : i32
    %mul3A_2 = arith.muli %arg1, %mul3A_1 : i32
    %eq3A = arith.constant 0 : i32
    %eq3A_3 = arith.cmpi eq, %arg0, %eq3A : i32
    %mul3A_4 = arith.constant 105 : i32
    %mul3A_5 = arith.muli %arg1, %mul3A_4 : i32
    %mul3A_6 = arith.constant 128 : i32
    %mul3A_7 = arith.muli %mul3A_5, %mul3A_6 : i32
    %mul3A_8 = arith.constant 53 : i32
    %mul3A_9 = arith.muli %arg1, %mul3A_8 : i32
    %add3A_10 = arith.constant 1680 : i32
    %add3A_11 = arith.addi %add3A_10, %mul3A_9 : i32
    %mul3A_12 = arith.constant 128 : i32
    %mul3A_13 = arith.muli %add3A_11, %mul3A_12 : i32
    %select_n3A = arith.select %eq3A_3, %mul3A_7, %mul3A_13 : i32
    "tpu.region"() ({
      %run_scoped3A = tpu.sem_alloc : memref<!tpu.dma_semaphore, #tpu.memory_space<semaphore_mem>>
      %dma_start3A = arith.constant 0 : i32
      %dma_start3A_26 = tpu.memref_slice %arg10[%mul3A_2, %dma_start3A] : memref<10112x128xf32, #tpu.memory_space<vmem_shared>> -> memref<632x128xf32, #tpu.memory_space<vmem_shared>>
      %dma_start3A_27 = arith.constant 0 : i32
      %dma_start3A_28 = tpu.memref_slice %arg5[%mul3A_2, %dma_start3A_27] : memref<10112x128xf32, #tpu.memory_space<hbm>> -> memref<632x128xf32, #tpu.memory_space<hbm>>
      tpu.enqueue_dma source(%dma_start3A_28 : memref<632x128xf32, #tpu.memory_space<hbm>>) target(%dma_start3A_26 : memref<632x128xf32, #tpu.memory_space<vmem_shared>>) target_semaphore(%run_scoped3A : memref<!tpu.dma_semaphore, #tpu.memory_space<semaphore_mem>>)
      %dma_wait3A = arith.constant 0 : i32
      %dma_wait3A_29 = tpu.memref_slice %arg10[%mul3A_2, %dma_wait3A] : memref<10112x128xf32, #tpu.memory_space<vmem_shared>> -> memref<632x128xf32, #tpu.memory_space<vmem_shared>>
      %dma_wait3A_30 = arith.constant 0 : i32
      %dma_wait3A_31 = tpu.memref_slice %arg5[%mul3A_2, %dma_wait3A_30] : memref<10112x128xf32, #tpu.memory_space<hbm>> -> memref<632x128xf32, #tpu.memory_space<hbm>>
      tpu.wait_dma2 semaphore(%run_scoped3A : memref<!tpu.dma_semaphore, #tpu.memory_space<semaphore_mem>>) src(%dma_wait3A_31 : memref<632x128xf32, #tpu.memory_space<hbm>>) dst(%dma_wait3A_29 : memref<632x128xf32, #tpu.memory_space<vmem_shared>>)
      tpu.yield
    }) : () -> ()
    %barrier3A = arith.constant 0 : index
    tpu.barrier barrier_id(%barrier3A)
    %eq3A_14 = arith.constant 0 : i32
    %eq3A_15 = arith.cmpi eq, %arg0, %eq3A_14 : i32
    %convert_element_type3A = arith.extui %eq3A_15 : i1 to i32
    %cond3A = arith.constant 0 : i32
    %cond3A_16 = arith.cmpi ne, %convert_element_type3A, %cond3A : i32
    scf.if %cond3A_16 {
      %scan3A = arith.constant 0 : i32
      %scan3A_26 = arith.constant 105 : i32
      %scan3A_27 = arith.addi %scan3A, %scan3A_26 : i32
      %scan3A_28 = arith.constant 1 : i32
      scf.for %scan3A_30 = %scan3A to %scan3A_27 step %scan3A_28  : i32 {
        %mul3A_31 = arith.constant 1 : i32
        %mul3A_32 = arith.muli %scan3A_30, %mul3A_31 : i32
        %add3A_33 = arith.constant 0 : i32
        %add3A_34 = arith.addi %add3A_33, %mul3A_32 : i32
        %mul3A_35 = arith.constant 128 : i32
        %mul3A_36 = arith.muli %add3A_34, %mul3A_35 : i32
        %add3A_37 = arith.addi %select_n3A, %mul3A_36 : i32
        "tpu.region"() ({
          %run_scoped3A = tpu.sem_alloc : memref<!tpu.dma_semaphore, #tpu.memory_space<semaphore_mem>>
          %dma_start3A_42 = tpu.memref_slice %arg3[%add3A_37] : memref<323584xi32, #tpu.memory_space<hbm>> -> memref<128xi32, #tpu.memory_space<hbm>>
          %dma_start3A_43 = tpu.memref_slice %arg3[%add3A_37] : memref<323584xi32, #tpu.memory_space<hbm>> -> memref<128xi32, #tpu.memory_space<hbm>>
          tpu.enqueue_dma source(%dma_start3A_43 : memref<128xi32, #tpu.memory_space<hbm>>) target(%arg7 : memref<128xi32, #tpu.memory_space<vmem>>) target_semaphore(%run_scoped3A : memref<!tpu.dma_semaphore, #tpu.memory_space<semaphore_mem>>)
          %dma_wait3A_44 = tpu.memref_slice %arg3[%add3A_37] : memref<323584xi32, #tpu.memory_space<hbm>> -> memref<128xi32, #tpu.memory_space<hbm>>
          %dma_wait3A_45 = tpu.memref_slice %arg3[%add3A_37] : memref<323584xi32, #tpu.memory_space<hbm>> -> memref<128xi32, #tpu.memory_space<hbm>>
          tpu.wait_dma2 semaphore(%run_scoped3A : memref<!tpu.dma_semaphore, #tpu.memory_space<semaphore_mem>>) src(%dma_wait3A_45 : memref<128xi32, #tpu.memory_space<hbm>>) dst(%arg7 : memref<128xi32, #tpu.memory_space<vmem>>)
          tpu.yield
        }) : () -> ()
        "tpu.region"() ({
          %run_scoped3A = tpu.sem_alloc : memref<!tpu.dma_semaphore, #tpu.memory_space<semaphore_mem>>
          %dma_start3A_42 = tpu.memref_slice %arg4[%add3A_37] : memref<323584xi32, #tpu.memory_space<hbm>> -> memref<128xi32, #tpu.memory_space<hbm>>
          %dma_start3A_43 = tpu.memref_slice %arg4[%add3A_37] : memref<323584xi32, #tpu.memory_space<hbm>> -> memref<128xi32, #tpu.memory_space<hbm>>
          tpu.enqueue_dma source(%dma_start3A_43 : memref<128xi32, #tpu.memory_space<hbm>>) target(%arg8 : memref<128xi32, #tpu.memory_space<vmem>>) target_semaphore(%run_scoped3A : memref<!tpu.dma_semaphore, #tpu.memory_space<semaphore_mem>>)
          %dma_wait3A_44 = tpu.memref_slice %arg4[%add3A_37] : memref<323584xi32, #tpu.memory_space<hbm>> -> memref<128xi32, #tpu.memory_space<hbm>>
          %dma_wait3A_45 = tpu.memref_slice %arg4[%add3A_37] : memref<323584xi32, #tpu.memory_space<hbm>> -> memref<128xi32, #tpu.memory_space<hbm>>
          tpu.wait_dma2 semaphore(%run_scoped3A : memref<!tpu.dma_semaphore, #tpu.memory_space<semaphore_mem>>) src(%dma_wait3A_45 : memref<128xi32, #tpu.memory_space<hbm>>) dst(%arg8 : memref<128xi32, #tpu.memory_space<vmem>>)
          tpu.yield
        }) : () -> ()
        %dma_start3A = arith.constant 0 : i32
        %dma_start3A_38 = arith.constant 0 : i32
        %dma_start3A_39 = tpu.memref_slice %arg2[%dma_start3A, %dma_start3A_38] : memref<10000x128xf32, #tpu.memory_space<hbm>> -> memref<10000x128xf32, #tpu.memory_space<hbm>>
        tpu.enqueue_indirect_dma source(%dma_start3A_39 : memref<10000x128xf32, #tpu.memory_space<hbm>>) target(%arg9 : memref<128x128xf32, #tpu.memory_space<vmem>>) offsets(%arg7 : memref<128xi32, #tpu.memory_space<vmem>>) semaphore(%arg11 : memref<!tpu.dma_semaphore, #tpu.memory_space<semaphore_mem>>)
        %dma_wait3A = arith.constant 0 : i32
        %dma_wait3A_40 = arith.constant 0 : i32
        %dma_wait3A_41 = tpu.memref_slice %arg2[%dma_wait3A, %dma_wait3A_40] : memref<10000x128xf32, #tpu.memory_space<hbm>> -> memref<10000x128xf32, #tpu.memory_space<hbm>>
        tpu.wait_indirect_dma semaphore(%arg11 : memref<!tpu.dma_semaphore, #tpu.memory_space<semaphore_mem>>) src(%dma_wait3A_41 : memref<10000x128xf32, #tpu.memory_space<hbm>>) dst(%arg9 : memref<128x128xf32, #tpu.memory_space<vmem>>)
        "tpu.region"() ({
          %run_scoped3A = tpu.sem_alloc : memref<!tpu.dma_semaphore, #tpu.memory_space<semaphore_mem>>
          %dma_start3A_42 = arith.constant 0 : i32
          %dma_start3A_43 = arith.constant 0 : i32
          %dma_start3A_44 = tpu.memref_slice %arg10[%dma_start3A_42, %dma_start3A_43] : memref<10112x128xf32, #tpu.memory_space<vmem_shared>> -> memref<10112x128xf32, #tpu.memory_space<vmem_shared>>
          tpu.enqueue_indirect_dma source(%arg9 : memref<128x128xf32, #tpu.memory_space<vmem>>) target(%dma_start3A_44 : memref<10112x128xf32, #tpu.memory_space<vmem_shared>>) offsets(%arg8 : memref<128xi32, #tpu.memory_space<vmem>>) semaphore(%run_scoped3A : memref<!tpu.dma_semaphore, #tpu.memory_space<semaphore_mem>>) {add = true}
          %dma_wait3A_45 = arith.constant 0 : i32
          %dma_wait3A_46 = arith.constant 0 : i32
          %dma_wait3A_47 = tpu.memref_slice %arg10[%dma_wait3A_45, %dma_wait3A_46] : memref<10112x128xf32, #tpu.memory_space<vmem_shared>> -> memref<10112x128xf32, #tpu.memory_space<vmem_shared>>
          tpu.wait_indirect_dma semaphore(%run_scoped3A : memref<!tpu.dma_semaphore, #tpu.memory_space<semaphore_mem>>) src(%arg9 : memref<128x128xf32, #tpu.memory_space<vmem>>) dst(%dma_wait3A_47 : memref<10112x128xf32, #tpu.memory_space<vmem_shared>>)
          tpu.yield
        }) : () -> ()
      }
      %scan3A_29 = arith.constant 105 : i32
    } else {
    }
    %eq3A_17 = arith.constant 1 : i32
    %eq3A_18 = arith.cmpi eq, %arg0, %eq3A_17 : i32
    %convert_element_type3A_19 = arith.extui %eq3A_18 : i1 to i32
    %cond3A_20 = arith.constant 0 : i32
    %cond3A_21 = arith.cmpi ne, %convert_element_type3A_19, %cond3A_20 : i32
    scf.if %cond3A_21 {
      %scan3A = arith.constant 0 : i32
      %scan3A_26 = arith.constant 53 : i32
      %scan3A_27 = arith.addi %scan3A, %scan3A_26 : i32
      %scan3A_28 = arith.constant 1 : i32
      scf.for %scan3A_30 = %scan3A to %scan3A_27 step %scan3A_28  : i32 {
        %mul3A_31 = arith.constant 1 : i32
        %mul3A_32 = arith.muli %scan3A_30, %mul3A_31 : i32
        %add3A_33 = arith.constant 0 : i32
        %add3A_34 = arith.addi %add3A_33, %mul3A_32 : i32
        %mul3A_35 = arith.constant 128 : i32
        %mul3A_36 = arith.muli %add3A_34, %mul3A_35 : i32
        %add3A_37 = arith.addi %select_n3A, %mul3A_36 : i32
        "tpu.region"() ({
          %run_scoped3A = tpu.sem_alloc : memref<!tpu.dma_semaphore, #tpu.memory_space<semaphore_mem>>
          %dma_start3A_42 = tpu.memref_slice %arg3[%add3A_37] : memref<323584xi32, #tpu.memory_space<hbm>> -> memref<128xi32, #tpu.memory_space<hbm>>
          %dma_start3A_43 = tpu.memref_slice %arg3[%add3A_37] : memref<323584xi32, #tpu.memory_space<hbm>> -> memref<128xi32, #tpu.memory_space<hbm>>
          tpu.enqueue_dma source(%dma_start3A_43 : memref<128xi32, #tpu.memory_space<hbm>>) target(%arg7 : memref<128xi32, #tpu.memory_space<vmem>>) target_semaphore(%run_scoped3A : memref<!tpu.dma_semaphore, #tpu.memory_space<semaphore_mem>>)
          %dma_wait3A_44 = tpu.memref_slice %arg3[%add3A_37] : memref<323584xi32, #tpu.memory_space<hbm>> -> memref<128xi32, #tpu.memory_space<hbm>>
          %dma_wait3A_45 = tpu.memref_slice %arg3[%add3A_37] : memref<323584xi32, #tpu.memory_space<hbm>> -> memref<128xi32, #tpu.memory_space<hbm>>
          tpu.wait_dma2 semaphore(%run_scoped3A : memref<!tpu.dma_semaphore, #tpu.memory_space<semaphore_mem>>) src(%dma_wait3A_45 : memref<128xi32, #tpu.memory_space<hbm>>) dst(%arg7 : memref<128xi32, #tpu.memory_space<vmem>>)
          tpu.yield
        }) : () -> ()
        "tpu.region"() ({
          %run_scoped3A = tpu.sem_alloc : memref<!tpu.dma_semaphore, #tpu.memory_space<semaphore_mem>>
          %dma_start3A_42 = tpu.memref_slice %arg4[%add3A_37] : memref<323584xi32, #tpu.memory_space<hbm>> -> memref<128xi32, #tpu.memory_space<hbm>>
          %dma_start3A_43 = tpu.memref_slice %arg4[%add3A_37] : memref<323584xi32, #tpu.memory_space<hbm>> -> memref<128xi32, #tpu.memory_space<hbm>>
          tpu.enqueue_dma source(%dma_start3A_43 : memref<128xi32, #tpu.memory_space<hbm>>) target(%arg8 : memref<128xi32, #tpu.memory_space<vmem>>) target_semaphore(%run_scoped3A : memref<!tpu.dma_semaphore, #tpu.memory_space<semaphore_mem>>)
          %dma_wait3A_44 = tpu.memref_slice %arg4[%add3A_37] : memref<323584xi32, #tpu.memory_space<hbm>> -> memref<128xi32, #tpu.memory_space<hbm>>
          %dma_wait3A_45 = tpu.memref_slice %arg4[%add3A_37] : memref<323584xi32, #tpu.memory_space<hbm>> -> memref<128xi32, #tpu.memory_space<hbm>>
          tpu.wait_dma2 semaphore(%run_scoped3A : memref<!tpu.dma_semaphore, #tpu.memory_space<semaphore_mem>>) src(%dma_wait3A_45 : memref<128xi32, #tpu.memory_space<hbm>>) dst(%arg8 : memref<128xi32, #tpu.memory_space<vmem>>)
          tpu.yield
        }) : () -> ()
        %dma_start3A = arith.constant 0 : i32
        %dma_start3A_38 = arith.constant 0 : i32
        %dma_start3A_39 = tpu.memref_slice %arg2[%dma_start3A, %dma_start3A_38] : memref<10000x128xf32, #tpu.memory_space<hbm>> -> memref<10000x128xf32, #tpu.memory_space<hbm>>
        tpu.enqueue_indirect_dma source(%dma_start3A_39 : memref<10000x128xf32, #tpu.memory_space<hbm>>) target(%arg9 : memref<128x128xf32, #tpu.memory_space<vmem>>) offsets(%arg7 : memref<128xi32, #tpu.memory_space<vmem>>) semaphore(%arg11 : memref<!tpu.dma_semaphore, #tpu.memory_space<semaphore_mem>>)
        %dma_wait3A = arith.constant 0 : i32
        %dma_wait3A_40 = arith.constant 0 : i32
        %dma_wait3A_41 = tpu.memref_slice %arg2[%dma_wait3A, %dma_wait3A_40] : memref<10000x128xf32, #tpu.memory_space<hbm>> -> memref<10000x128xf32, #tpu.memory_space<hbm>>
        tpu.wait_indirect_dma semaphore(%arg11 : memref<!tpu.dma_semaphore, #tpu.memory_space<semaphore_mem>>) src(%dma_wait3A_41 : memref<10000x128xf32, #tpu.memory_space<hbm>>) dst(%arg9 : memref<128x128xf32, #tpu.memory_space<vmem>>)
        "tpu.region"() ({
          %run_scoped3A = tpu.sem_alloc : memref<!tpu.dma_semaphore, #tpu.memory_space<semaphore_mem>>
          %dma_start3A_42 = arith.constant 0 : i32
          %dma_start3A_43 = arith.constant 0 : i32
          %dma_start3A_44 = tpu.memref_slice %arg10[%dma_start3A_42, %dma_start3A_43] : memref<10112x128xf32, #tpu.memory_space<vmem_shared>> -> memref<10112x128xf32, #tpu.memory_space<vmem_shared>>
          tpu.enqueue_indirect_dma source(%arg9 : memref<128x128xf32, #tpu.memory_space<vmem>>) target(%dma_start3A_44 : memref<10112x128xf32, #tpu.memory_space<vmem_shared>>) offsets(%arg8 : memref<128xi32, #tpu.memory_space<vmem>>) semaphore(%run_scoped3A : memref<!tpu.dma_semaphore, #tpu.memory_space<semaphore_mem>>) {add = true}
          %dma_wait3A_45 = arith.constant 0 : i32
          %dma_wait3A_46 = arith.constant 0 : i32
          %dma_wait3A_47 = tpu.memref_slice %arg10[%dma_wait3A_45, %dma_wait3A_46] : memref<10112x128xf32, #tpu.memory_space<vmem_shared>> -> memref<10112x128xf32, #tpu.memory_space<vmem_shared>>
          tpu.wait_indirect_dma semaphore(%run_scoped3A : memref<!tpu.dma_semaphore, #tpu.memory_space<semaphore_mem>>) src(%arg9 : memref<128x128xf32, #tpu.memory_space<vmem>>) dst(%dma_wait3A_47 : memref<10112x128xf32, #tpu.memory_space<vmem_shared>>)
          tpu.yield
        }) : () -> ()
      }
      %scan3A_29 = arith.constant 53 : i32
    } else {
    }
    %barrier3A_22 = arith.constant 0 : index
    tpu.barrier barrier_id(%barrier3A_22)
    %mul3A_23 = arith.constant 10112 : i32
    %mul3A_24 = arith.muli %arg0, %mul3A_23 : i32
    %add3A_25 = arith.addi %mul3A_24, %mul3A_2 : i32
    "tpu.region"() ({
      %run_scoped3A = tpu.sem_alloc : memref<!tpu.dma_semaphore, #tpu.memory_space<semaphore_mem>>
      %dma_start3A = arith.constant 0 : i32
      %dma_start3A_26 = tpu.memref_slice %arg6[%add3A_25, %dma_start3A] : memref<20224x128xf32, #tpu.memory_space<hbm>> -> memref<632x128xf32, #tpu.memory_space<hbm>>
      %dma_start3A_27 = arith.constant 0 : i32
      %dma_start3A_28 = tpu.memref_slice %arg10[%mul3A_2, %dma_start3A_27] : memref<10112x128xf32, #tpu.memory_space<vmem_shared>> -> memref<632x128xf32, #tpu.memory_space<vmem_shared>>
      tpu.enqueue_dma source(%dma_start3A_28 : memref<632x128xf32, #tpu.memory_space<vmem_shared>>) target(%dma_start3A_26 : memref<632x128xf32, #tpu.memory_space<hbm>>) target_semaphore(%run_scoped3A : memref<!tpu.dma_semaphore, #tpu.memory_space<semaphore_mem>>)
      %dma_wait3A = arith.constant 0 : i32
      %dma_wait3A_29 = tpu.memref_slice %arg6[%add3A_25, %dma_wait3A] : memref<20224x128xf32, #tpu.memory_space<hbm>> -> memref<632x128xf32, #tpu.memory_space<hbm>>
      %dma_wait3A_30 = arith.constant 0 : i32
      %dma_wait3A_31 = tpu.memref_slice %arg10[%mul3A_2, %dma_wait3A_30] : memref<10112x128xf32, #tpu.memory_space<vmem_shared>> -> memref<632x128xf32, #tpu.memory_space<vmem_shared>>
      tpu.wait_dma2 semaphore(%run_scoped3A : memref<!tpu.dma_semaphore, #tpu.memory_space<semaphore_mem>>) src(%dma_wait3A_31 : memref<632x128xf32, #tpu.memory_space<vmem_shared>>) dst(%dma_wait3A_29 : memref<632x128xf32, #tpu.memory_space<hbm>>)
      tpu.yield
    }) : () -> ()
    return
  }
}

module attributes {stable_mosaic.version = 14 : i64} {
  func.func @body(%arg0: i32, %arg1: memref<2000x128xf32, #tpu.memory_space<vmem>>, %arg2: memref<128x128xf32, #tpu.memory_space<vmem>>, %arg3: memref<1x128xf32, #tpu.memory_space<vmem>>, %arg4: memref<2000x128xf32, #tpu.memory_space<vmem>>) attributes {dimension_semantics = [#tpu.dimension_semantics<arbitrary>], iteration_bounds = array<i64: 5>, scalar_prefetch = 0 : i64, scratch_operands = 0 : i64, tpu.core_type = #tpu.core_type<tc>, window_params = [{transform_indices = @transform_0, window_bounds = array<i64: 2000, 128>}, {pipeline_mode = #tpu.pipeline_mode<synchronous>, transform_indices = @transform_1, window_bounds = array<i64: 128, 128>}, {pipeline_mode = #tpu.pipeline_mode<synchronous>, transform_indices = @transform_2, window_bounds = array<i64: 1, 128>}, {transform_indices = @transform_3, window_bounds = array<i64: 2000, 128>}]} {
    %get3A = arith.constant 0 : index
    %get3A_0 = arith.constant 0 : index
    %get3A_1 = vector.load %arg1[%get3A, %get3A_0] : memref<2000x128xf32, #tpu.memory_space<vmem>>, vector<2000x128xf32>
    %get3A_2 = arith.constant 0 : index
    %get3A_3 = arith.constant 0 : index
    %get3A_4 = vector.load %arg2[%get3A_2, %get3A_3] : memref<128x128xf32, #tpu.memory_space<vmem>>, vector<128x128xf32>
    %dot_general3A = arith.constant dense<0.000000e+00> : vector<2000x128xf32>
    %dot_general3A_5 = tpu.matmul %get3A_1, %get3A_4, %dot_general3A {dimension_numbers = #tpu.dot_dimension_numbers<[1], [0], [0], [1], [0, 0, 1, 1], [], []>, precision = #tpu.contract_precision<fp32>, transpose_lhs_hint = false} : vector<2000x128xf32>, vector<128x128xf32>, vector<2000x128xf32> -> vector<2000x128xf32>
    %get3A_6 = arith.constant 0 : index
    %get3A_7 = arith.constant 0 : index
    %get3A_8 = vector.load %arg3[%get3A_6, %get3A_7] : memref<1x128xf32, #tpu.memory_space<vmem>>, vector<1x128xf32>
    %add3A = vector.broadcast %get3A_8 : vector<1x128xf32> to vector<2000x128xf32>
    %add3A_9 = arith.addf %dot_general3A_5, %add3A : vector<2000x128xf32>
    %swap3A = arith.constant 0 : index
    %swap3A_10 = arith.constant 0 : index
    %swap3A_11 = vector.load %arg4[%swap3A, %swap3A_10] : memref<2000x128xf32, #tpu.memory_space<vmem>>, vector<2000x128xf32>
    tpu.vector_store %arg4[%swap3A, %swap3A_10], %add3A_9 {strides = array<i32>} : memref<2000x128xf32, #tpu.memory_space<vmem>>, vector<2000x128xf32>,
    return
  }
  func.func @transform_0(%arg0: i32) -> (i32, i32) {
    %c0_i32 = arith.constant 0 : i32
    %c0_i32_0 = arith.constant 0 : i32
    return %arg0, %c0_i32 : i32, i32
  }
  func.func @transform_1(%arg0: i32) -> (i32, i32) {
    %c0_i32 = arith.constant 0 : i32
    %c0_i32_0 = arith.constant 0 : i32
    %c0_i32_1 = arith.constant 0 : i32
    return %c0_i32, %c0_i32_0 : i32, i32
  }
  func.func @transform_2(%arg0: i32) -> (i32, i32) {
    %c0_i32 = arith.constant 0 : i32
    %c0_i32_0 = arith.constant 0 : i32
    %c0_i32_1 = arith.constant 0 : i32
    return %c0_i32, %c0_i32_0 : i32, i32
  }
  func.func @transform_3(%arg0: i32) -> (i32, i32) {
    %c0_i32 = arith.constant 0 : i32
    %c0_i32_0 = arith.constant 0 : i32
    return %arg0, %c0_i32 : i32, i32
  }
}

module attributes {stable_mosaic.version = 14 : i64} {
  func.func @body(%arg0: i32, %arg1: memref<2x2000x128xf32, #tpu.memory_space<vmem>>, %arg2: memref<2000x32xf32, #tpu.memory_space<vmem>>, %arg3: memref<2000x128xf32, #tpu.memory_space<vmem>>, %arg4: memref<128x128xf32, #tpu.memory_space<vmem>>, %arg5: memref<2000x128xf32, #tpu.memory_space<vmem>>) attributes {dimension_semantics = [#tpu.dimension_semantics<arbitrary>], iteration_bounds = array<i64: 5>, scalar_prefetch = 0 : i64, scratch_operands = 0 : i64, tpu.core_type = #tpu.core_type<tc>, window_params = [{transform_indices = @transform_0, window_bounds = array<i64: 2, 2000, 128>}, {transform_indices = @transform_1, window_bounds = array<i64: 2000, 32>}, {transform_indices = @transform_2, window_bounds = array<i64: 2000, 128>}, {pipeline_mode = #tpu.pipeline_mode<synchronous>, transform_indices = @transform_3, window_bounds = array<i64: 128, 128>}, {transform_indices = @transform_4, window_bounds = array<i64: 2000, 128>}]} {
    %get3A = arith.constant 0 : index
    %get3A_0 = arith.constant 0 : index
    %get3A_1 = arith.constant 0 : index
    %get3A_2 = vector.load %arg1[%get3A, %get3A_0, %get3A_1] : memref<2x2000x128xf32, #tpu.memory_space<vmem>>, vector<1x2000x128xf32>
    %get3A_3 = vector.shape_cast %get3A_2 : vector<1x2000x128xf32> to vector<2000x128xf32>
    %get3A_4 = arith.constant 1 : index
    %get3A_5 = arith.constant 0 : index
    %get3A_6 = arith.constant 0 : index
    %get3A_7 = vector.load %arg1[%get3A_4, %get3A_5, %get3A_6] : memref<2x2000x128xf32, #tpu.memory_space<vmem>>, vector<1x2000x128xf32>
    %get3A_8 = vector.shape_cast %get3A_7 : vector<1x2000x128xf32> to vector<2000x128xf32>
    %add3A = arith.addf %get3A_3, %get3A_8 : vector<2000x128xf32>
    %get3A_9 = arith.constant 0 : index
    %get3A_10 = arith.constant 0 : index
    %get3A_11 = vector.load %arg2[%get3A_9, %get3A_10] : memref<2000x32xf32, #tpu.memory_space<vmem>>, vector<2000x32xf32>
    %reduce_sum3A = arith.constant dense<0.000000e+00> : vector<2000xf32>
    %reduce_sum3A_12 = vector.multi_reduction <add>, %get3A_11, %reduce_sum3A [1] : vector<2000x32xf32> to vector<2000xf32>
    %broadcast_in_dim3A = vector.shape_cast %reduce_sum3A_12 : vector<2000xf32> to vector<2000x1xf32>
    %max3A = arith.constant 1.000000e+00 : f32
    %max3A_13 = vector.broadcast %max3A : f32 to vector<2000x1xf32>
    %max3A_14 = arith.maximumf %broadcast_in_dim3A, %max3A_13 : vector<2000x1xf32>
    %div3A = vector.broadcast %max3A_14 : vector<2000x1xf32> to vector<2000x128xf32>
    %div3A_15 = arith.divf %add3A, %div3A : vector<2000x128xf32>
    %get3A_16 = arith.constant 0 : index
    %get3A_17 = arith.constant 0 : index
    %get3A_18 = vector.load %arg4[%get3A_16, %get3A_17] : memref<128x128xf32, #tpu.memory_space<vmem>>, vector<128x128xf32>
    %dot_general3A = arith.constant dense<0.000000e+00> : vector<2000x128xf32>
    %dot_general3A_19 = tpu.matmul %div3A_15, %get3A_18, %dot_general3A {dimension_numbers = #tpu.dot_dimension_numbers<[1], [0], [0], [1], [0, 0, 1, 1], [], []>, precision = #tpu.contract_precision<fp32>, transpose_lhs_hint = false} : vector<2000x128xf32>, vector<128x128xf32>, vector<2000x128xf32> -> vector<2000x128xf32>
    %get3A_20 = arith.constant 0 : index
    %get3A_21 = arith.constant 0 : index
    %get3A_22 = vector.load %arg3[%get3A_20, %get3A_21] : memref<2000x128xf32, #tpu.memory_space<vmem>>, vector<2000x128xf32>
    %add3A_23 = arith.addf %dot_general3A_19, %get3A_22 : vector<2000x128xf32>
    %max3A_24 = arith.constant 0.000000e+00 : f32
    %max3A_25 = vector.broadcast %max3A_24 : f32 to vector<2000x128xf32>
    %max3A_26 = arith.maximumf %add3A_23, %max3A_25 : vector<2000x128xf32>
    %swap3A = arith.constant 0 : index
    %swap3A_27 = arith.constant 0 : index
    %swap3A_28 = vector.load %arg5[%swap3A, %swap3A_27] : memref<2000x128xf32, #tpu.memory_space<vmem>>, vector<2000x128xf32>
    tpu.vector_store %arg5[%swap3A, %swap3A_27], %max3A_26 {strides = array<i32>} : memref<2000x128xf32, #tpu.memory_space<vmem>>, vector<2000x128xf32>,
    return
  }
  func.func @transform_0(%arg0: i32) -> (i32, i32, i32) {
    %c0_i32 = arith.constant 0 : i32
    %c0_i32_0 = arith.constant 0 : i32
    %c0_i32_1 = arith.constant 0 : i32
    return %c0_i32, %arg0, %c0_i32_0 : i32, i32, i32
  }
  func.func @transform_1(%arg0: i32) -> (i32, i32) {
    %c0_i32 = arith.constant 0 : i32
    %c0_i32_0 = arith.constant 0 : i32
    return %arg0, %c0_i32 : i32, i32
  }
  func.func @transform_2(%arg0: i32) -> (i32, i32) {
    %c0_i32 = arith.constant 0 : i32
    %c0_i32_0 = arith.constant 0 : i32
    return %arg0, %c0_i32 : i32, i32
  }
  func.func @transform_3(%arg0: i32) -> (i32, i32) {
    %c0_i32 = arith.constant 0 : i32
    %c0_i32_0 = arith.constant 0 : i32
    %c0_i32_1 = arith.constant 0 : i32
    return %c0_i32, %c0_i32_0 : i32, i32
  }
  func.func @transform_4(%arg0: i32) -> (i32, i32) {
    %c0_i32 = arith.constant 0 : i32
    %c0_i32_0 = arith.constant 0 : i32
    return %arg0, %c0_i32 : i32, i32
  }
}

module attributes {stable_mosaic.version = 14 : i64} {
  func.func @body(%arg0: i32, %arg1: memref<2x2000x128xf32, #tpu.memory_space<vmem>>, %arg2: memref<2000x32xf32, #tpu.memory_space<vmem>>, %arg3: memref<2000x128xf32, #tpu.memory_space<vmem>>, %arg4: memref<128x128xf32, #tpu.memory_space<vmem>>, %arg5: memref<2000x128xf32, #tpu.memory_space<vmem>>) attributes {dimension_semantics = [#tpu.dimension_semantics<arbitrary>], iteration_bounds = array<i64: 5>, scalar_prefetch = 0 : i64, scratch_operands = 0 : i64, tpu.core_type = #tpu.core_type<tc>, window_params = [{transform_indices = @transform_0, window_bounds = array<i64: 2, 2000, 128>}, {transform_indices = @transform_1, window_bounds = array<i64: 2000, 32>}, {transform_indices = @transform_2, window_bounds = array<i64: 2000, 128>}, {pipeline_mode = #tpu.pipeline_mode<synchronous>, transform_indices = @transform_3, window_bounds = array<i64: 128, 128>}, {transform_indices = @transform_4, window_bounds = array<i64: 2000, 128>}]} {
    %get3A = arith.constant 0 : index
    %get3A_0 = arith.constant 0 : index
    %get3A_1 = arith.constant 0 : index
    %get3A_2 = vector.load %arg1[%get3A, %get3A_0, %get3A_1] : memref<2x2000x128xf32, #tpu.memory_space<vmem>>, vector<1x2000x128xf32>
    %get3A_3 = vector.shape_cast %get3A_2 : vector<1x2000x128xf32> to vector<2000x128xf32>
    %get3A_4 = arith.constant 1 : index
    %get3A_5 = arith.constant 0 : index
    %get3A_6 = arith.constant 0 : index
    %get3A_7 = vector.load %arg1[%get3A_4, %get3A_5, %get3A_6] : memref<2x2000x128xf32, #tpu.memory_space<vmem>>, vector<1x2000x128xf32>
    %get3A_8 = vector.shape_cast %get3A_7 : vector<1x2000x128xf32> to vector<2000x128xf32>
    %add3A = arith.addf %get3A_3, %get3A_8 : vector<2000x128xf32>
    %get3A_9 = arith.constant 0 : index
    %get3A_10 = arith.constant 0 : index
    %get3A_11 = vector.load %arg2[%get3A_9, %get3A_10] : memref<2000x32xf32, #tpu.memory_space<vmem>>, vector<2000x32xf32>
    %reduce_sum3A = arith.constant dense<0.000000e+00> : vector<2000xf32>
    %reduce_sum3A_12 = vector.multi_reduction <add>, %get3A_11, %reduce_sum3A [1] : vector<2000x32xf32> to vector<2000xf32>
    %broadcast_in_dim3A = vector.shape_cast %reduce_sum3A_12 : vector<2000xf32> to vector<2000x1xf32>
    %max3A = arith.constant 1.000000e+00 : f32
    %max3A_13 = vector.broadcast %max3A : f32 to vector<2000x1xf32>
    %max3A_14 = arith.maximumf %broadcast_in_dim3A, %max3A_13 : vector<2000x1xf32>
    %div3A = vector.broadcast %max3A_14 : vector<2000x1xf32> to vector<2000x128xf32>
    %div3A_15 = arith.divf %add3A, %div3A : vector<2000x128xf32>
    %get3A_16 = arith.constant 0 : index
    %get3A_17 = arith.constant 0 : index
    %get3A_18 = vector.load %arg4[%get3A_16, %get3A_17] : memref<128x128xf32, #tpu.memory_space<vmem>>, vector<128x128xf32>
    %dot_general3A = arith.constant dense<0.000000e+00> : vector<2000x128xf32>
    %dot_general3A_19 = tpu.matmul %div3A_15, %get3A_18, %dot_general3A {dimension_numbers = #tpu.dot_dimension_numbers<[1], [0], [0], [1], [0, 0, 1, 1], [], []>, precision = #tpu.contract_precision<fp32>, transpose_lhs_hint = false} : vector<2000x128xf32>, vector<128x128xf32>, vector<2000x128xf32> -> vector<2000x128xf32>
    %get3A_20 = arith.constant 0 : index
    %get3A_21 = arith.constant 0 : index
    %get3A_22 = vector.load %arg3[%get3A_20, %get3A_21] : memref<2000x128xf32, #tpu.memory_space<vmem>>, vector<2000x128xf32>
    %add3A_23 = arith.addf %dot_general3A_19, %get3A_22 : vector<2000x128xf32>
    %swap3A = arith.constant 0 : index
    %swap3A_24 = arith.constant 0 : index
    %swap3A_25 = vector.load %arg5[%swap3A, %swap3A_24] : memref<2000x128xf32, #tpu.memory_space<vmem>>, vector<2000x128xf32>
    tpu.vector_store %arg5[%swap3A, %swap3A_24], %add3A_23 {strides = array<i32>} : memref<2000x128xf32, #tpu.memory_space<vmem>>, vector<2000x128xf32>,
    return
  }
  func.func @transform_0(%arg0: i32) -> (i32, i32, i32) {
    %c0_i32 = arith.constant 0 : i32
    %c0_i32_0 = arith.constant 0 : i32
    %c0_i32_1 = arith.constant 0 : i32
    return %c0_i32, %arg0, %c0_i32_0 : i32, i32, i32
  }
  func.func @transform_1(%arg0: i32) -> (i32, i32) {
    %c0_i32 = arith.constant 0 : i32
    %c0_i32_0 = arith.constant 0 : i32
    return %arg0, %c0_i32 : i32, i32
  }
  func.func @transform_2(%arg0: i32) -> (i32, i32) {
    %c0_i32 = arith.constant 0 : i32
    %c0_i32_0 = arith.constant 0 : i32
    return %arg0, %c0_i32 : i32, i32
  }
  func.func @transform_3(%arg0: i32) -> (i32, i32) {
    %c0_i32 = arith.constant 0 : i32
    %c0_i32_0 = arith.constant 0 : i32
    %c0_i32_1 = arith.constant 0 : i32
    return %c0_i32, %c0_i32_0 : i32, i32
  }
  func.func @transform_4(%arg0: i32) -> (i32, i32) {
    %c0_i32 = arith.constant 0 : i32
    %c0_i32_0 = arith.constant 0 : i32
    return %arg0, %c0_i32 : i32, i32
  }
}

</mosaic_0001>

<sc_bundles>
// kernel: kernel.11.cloned.1.call-start
scs
__scs_entry_jumppad:
0x0: {  	(pc) =	sbr.rel $0x88, $3  }
0x1: {  	(tag) =	ssettag $0x0;
	lr =	simm.s32 $0x1  }
0x2: {  	[smem:$0x3F99] =	sst lr;
	_ =	strace $0xD0000000  }
0x3: {  	_ = 	snop  }
0x4: {  	_ = 	snop  }
0x5: {  	_ = 	snop  }
0x6: {  	_ = 	snop  }
0x7: {  	_ = 	snop  }
__scs_overlays_trampoline_lowered:
0x8: {  	[smem:$0x3FA8] =	sst s0  }
0x9: {  	[smem:$0x3FA9] =	sst s1  }
0xa: {  	[smem:$0x3FAA] =	sst s2  }
0xb: {  	[smem:$0x3FAB] =	sst s3  }
0xc: {  	[smem:$0x3FAC] =	sst s4  }
0xd: {  	[smem:$0x3FAD] =	sst s5  }
0xe: {  	[smem:$0x3FAE] =	sst s6  }
0xf: {  	[smem:$0x3FAF] =	sst s7  }
0x10: {  	[smem:$0x3FB0] =	sst s8  }
0x11: {  	[smem:$0x3FB1] =	sst s9;
	s0 =	simm.s32 @!p0 $0x0  }
0x12: {  	s1 =	sld [smem:$0x3F97];
	s0 =	simm.s32 @p0 $0x1  }
0x13: {  	[smem:$0x3FB2] =	sst s0;
	s0 =	simm.s32 @!p1 $0x0  }
0x14: {  	s2 =	sld [smem:$0x3F96];
	s0 =	simm.s32 @p1 $0x1  }
0x15: {  	[smem:$0x3FB3] =	sst s0;
	s0 =	simm.s32 @!p2 $0x0  }
0x16: {  	s3 =	sld [smem:$0x3FDB];
	s0 =	simm.s32 @p2 $0x1  }
0x17: {  	s4 =	simm.s32 $0x1BF5;
	[smem:$0x3FB5] =	sst s0  }
0x18: {  	s0 =	sld [smem:$0x3F98];
	_ =	swait.ge [sflag:s4], $0x0  }
0x19: {  	s7 =	sld [smem:$0x3F99]  }
0x1a: {  	s8 =	sadd.s32 $0xFFFFE003, lr  }
0x1b: {  	s9 =	sadd.s32 $0xFFFFFEF7, lr;
	s5 =	simm.s32 $0xFFFFFFFF;
	p2 =	slt.u32 s8, $0xFFFFF086  }
0x1c: {  	p1 =	slt.u32 s9, $0xF7A;
	s5 =	simm.s32 @!p2 $0x0  }
0x1d: {  	s5 =	simm.s32 @p1 $0x1;
	p0 =	seq.s32 s7, s2  }
0x1e: {  	s7 =	smul.u32 @!p0 $0xF7A, s2;
	p2 =	seq.s32 @!p0 s5, $0x0  }
0x1f: {  	s9 =	smul.u32 $0xF7A, s1;
	s8 =	simm.s32 @!p0 $0x1BF5;
	p2 =	por !p2, p0  }
0x20: {  	[sflag:s8] =	ssyncset.s32 @!p0 $0xFFFFF086;
	s6 =	sadd.s32 @!p0 s3, s7;
	s7 =	simm.s32 @!p0 $0x108  }
0x21: {  	s3 =	sadd.s32 s3, s9;
	s6 =	sadd.s32 @!p0 $0x88, s6;
	s7 =	simm.s32 @p2 $0x1082  }
0x22: {  	[simem:s7], [sflag:s8] =	dma.local @!p0 [hbm:s6], $0xF7A  }
0x23: {  	s9 =	sor.u32 $0xD0000000, s2;
	s6 =	simm.s32 $0x108;
	_ =	swait.ge @!p0 [sflag:s8], $0x0  }
0x24: {  	s3 =	sadd.s32 $0x88, s3;
	s6 =	simm.s32 @!p1 $0x1082;
	[sflag:s4] =	ssyncset.s32 $0xFFFFF086  }
0x25: {  	[simem:s6], [sflag:s4] =	dma.local [hbm:s3], $0xF7A  }
0x26: {  	[smem:$0x3F99] =	sst s1;
	(tag) =	ssettag s2;
	_ =	strace s9  }
0x27: {  	s1 =	sld [smem:$0x3FA9]  }
0x28: {  	s2 =	sld [smem:$0x3FAA]  }
0x29: {  	s4 =	sld [smem:$0x3FAC]  }
0x2a: {  	p0 =	seq.s32 s5, $0x0;
	s5 =	sld [smem:$0x3FAD]  }
0x2b: {  	s6 =	sld [smem:$0x3FAE]  }
0x2c: {  	s7 =	sld [smem:$0x3FAF]  }
0x2d: {  	s3 =	simm.s32 $0x108;
	s8 =	sld [smem:$0x3FB0]  }
0x2e: {  	s3 =	simm.s32 @!p0 $0x1082;
	s9 =	sld [smem:$0x3FB1]  }
0x2f: {  	lr =	sadd.s32 s0, s3;
	s0 =	sld [smem:$0x3FA8]  }
0x30: {  	s3 =	sld [smem:$0x3FAB]  }
0x31: {  	[smem:$0x3FB4] =	sst s10  }
0x32: {  	s10 =	sld [smem:$0x3FB2];
	_ =	sdelay $0x3  }
0x33: {  	p0 =	seq.s32 s10, $0x1;
	s10 =	sld [smem:$0x3FB4];
	_ =	sdelay $0x3  }
0x34: {  	[smem:$0x3FB4] =	sst s10  }
0x35: {  	s10 =	sld [smem:$0x3FB3];
	_ =	sdelay $0x3  }
0x36: {  	p1 =	seq.s32 s10, $0x1;
	s10 =	sld [smem:$0x3FB4];
	_ =	sdelay $0x3  }
0x37: {  	[smem:$0x3FB4] =	sst s10  }
0x38: {  	s10 =	sld [smem:$0x3FB5]  }
0x39: {  	_ = 	snop;
	(pc) =	sbr.ind lr, $3  }
0x3a: {  	_ = 	snop  }
0x3b: {  	_ = 	snop  }
0x3c: {  	p2 =	seq.s32 s10, $0x1;
	s10 =	sld [smem:$0x3FB4]  }
0x3d: {  	_ =	shalt  }
0x3e: {  	_ =	shalt  }
0x3f: {  	_ =	shalt  }
0x40: {  	_ =	shalt  }
0x41: {  	_ =	shalt  }
0x42: {  	_ =	shalt  }
0x43: {  	_ =	shalt  }
0x44: {  	_ =	shalt  }
0x45: {  	_ =	shalt  }
0x46: {  	_ =	shalt  }
0x47: {  	_ =	shalt  }
0x48: {  	_ =	shalt  }
0x49: {  	_ =	shalt  }
0x4a: {  	_ =	shalt  }
0x4b: {  	_ =	shalt  }
0x4c: {  	_ =	shalt  }
0x4d: {  	_ =	shalt  }
0x4e: {  	_ =	shalt  }
0x4f: {  	_ =	shalt  }
0x50: {  	_ =	shalt  }
0x51: {  	_ =	shalt  }
0x52: {  	_ =	shalt  }
0x53: {  	_ =	shalt  }
0x54: {  	_ =	shalt  }
0x55: {  	_ =	shalt  }
0x56: {  	_ =	shalt  }
0x57: {  	_ =	shalt  }
0x58: {  	_ =	shalt  }
0x59: {  	_ =	shalt  }
0x5a: {  	_ =	shalt  }
0x5b: {  	_ =	shalt  }
0x5c: {  	_ =	shalt  }
0x5d: {  	_ =	shalt  }
0x5e: {  	_ =	shalt  }
0x5f: {  	_ =	shalt  }
0x60: {  	_ =	shalt  }
0x61: {  	_ =	shalt  }
0x62: {  	_ =	shalt  }
0x63: {  	_ =	shalt  }
0x64: {  	_ =	shalt  }
0x65: {  	_ =	shalt  }
0x66: {  	_ =	shalt  }
0x67: {  	_ =	shalt  }
0x68: {  	_ =	shalt  }
0x69: {  	_ =	shalt  }
0x6a: {  	_ =	shalt  }
0x6b: {  	_ =	shalt  }
0x6c: {  	_ =	shalt  }
0x6d: {  	_ =	shalt  }
0x6e: {  	_ =	shalt  }
0x6f: {  	_ =	shalt  }
0x70: {  	_ =	shalt  }
0x71: {  	_ =	shalt  }
0x72: {  	_ =	shalt  }
0x73: {  	_ =	shalt  }
0x74: {  	_ =	shalt  }
0x75: {  	_ =	shalt  }
0x76: {  	_ =	shalt  }
0x77: {  	_ =	shalt  }
0x78: {  	_ =	shalt  }
0x79: {  	_ =	shalt  }
0x7a: {  	_ =	shalt  }
0x7b: {  	_ =	shalt  }
0x7c: {  	_ =	shalt  }
0x7d: {  	_ =	shalt  }
0x7e: {  	_ =	shalt  }
0x7f: {  	_ =	shalt  }
0x80: {  	_ =	shalt  }
0x81: {  	_ =	shalt  }
0x82: {  	_ =	shalt  }
0x83: {  	_ =	shalt  }
0x84: {  	_ =	shalt  }
0x85: {  	_ =	shalt  }
0x86: {  	_ =	shalt  }
0x87: {  	_ =	shalt  }
.Lfunc_end0:
.L_simem_size_0:
called_computation.1_lowered:
.L_overlay_start_0:
0x88: {  	s2 =	sld [smem:$0x3FD9]  }
0x89: {  	s3 =	sld [smem:$0x3FFE];
	_ =	sdelay $0x1  }
0x8a: {  	s1 =	srdreg.scid  }
0x8b: {  	s0 =	sand.u32 $0x1, s1  }
0x8c: {  	s17 =	sshll.u32 s0, $0xA;
	s2 =	sadd.s32 s3, s2  }
0x8d: {  	s2 =	sadd.s32 s2, s17  }
0x8e: {  	[smem:$0x3FC0] =	sst s2  }
0x8f: {  	_ = 	snop  }
0x90: {  	s2 =	sld [smem:$0x3FD0];
	(tm) =	ssettm $0x1  }
0x91: {  	s18 =	sld [smem:$0x3FFB];
	_ =	sdelay $0x3  }
0x92: {  	_ =	strace s18  }
0x93: {  	s3 =	sld [smem:$0x3FFC];
	_ =	sdelay $0x3  }
0x94: {  	_ =	strace s3  }
0x95: {  	s3 =	sld [smem:$0x3FFD];
	_ =	sdelay $0x3  }
0x96: {  	_ =	strace s3  }
0x97: {  	_ =	strace $0x8FFFFFFF  }
0x98: {  	s19 =	sld [smem:$0x3FDB];
	_ =	sdelay $0x1  }
0x99: {  	s4 =	simm.s32 $_scs_section_size  }
0x9a: {  	s5 =	simm.s32 $_size__tile_overlayer_lowered;
	s6 =	simm.s32 $_tile_overlayer_lowered  }
0x9b: {  	s22 =	simm.s32 $0x1BFF;
	s21 =	sshll.u32 s6, $0x1;
	s3 =	sadd.s32 s4, s19  }
0x9c: {  	s7 =	simm.s32 $0x0;
	s20 =	sshll.u32 s5, $0x1;
	s5 =	sadd.s32 s21, s3  }
0x9d: {  	[timem:s7], [sflag:s22] =	dma.local [hbm:s5], s20  }
0x9e: {  	_ =	swait.ge [sflag:s22], s20  }
0x9f: {  	s4 =	ssub.s32 $0x0, s20;
	[sflag:s22] =	ssyncset.done $0x0  }
0xa0: {  	[sflag:s22] =	ssyncadd.s32 s4;
	_ =	sdelay $0x1  }
0xa1: {  	s23 =	simm.s32 $0x1B8B  }
0xa2: {  	_ =	swait.ge [sflag:s23], $0x1  }
0xa3: {  	[sflag:s23] =	ssyncset.done $0x0  }
0xa4: {  	s25 =	simm.s32 $0x1B8E;
	s24 =	sld [smem:$0x3FFE];
	[sflag:s23] =	ssyncadd.s32 $0xFFFFFFFF  }
0xa5: {  	s26 =	simm.s32 $execute0_lowered;
	[smem:$0x3FD2] =	sst s25  }
0xa6: {  	s5 =	sshll.u32 s26, $0x1;
	_ =	strace $0x80000049;
	[dreg:$0x1] =	wrdreg $0xFFFFFFFF  }
0xa7: {  	s28 =	simm.s32 $_size_execute0_lowered;
	s3 =	sadd.s32 s3, s5;
	[dreg:$0x0] =	wrdreg $0x0  }
0xa8: {  	s5 =	sshll.u32 s28, $0x1;
	[dreg:$0x2] =	wrdreg s3  }
0xa9: {  	[dreg:$0x3] =	wrdreg s5  }
0xaa: {  	[dreg:$0x4] =	wrdreg $0xC0  }
0xab: {  	_ =	task [dreg:s7], $0x5FFFF  }
0xac: {  	[dreg:$0x1] =	wrdreg $0xFFFFFFFF  }
0xad: {  	[dreg:$0x0] =	wrdreg $0x60  }
0xae: {  	[dreg:$0x2] =	wrdreg s2  }
0xaf: {  	[dreg:$0x3] =	wrdreg s24  }
0xb0: {  	[dreg:$0x4] =	wrdreg $0x41000  }
0xb1: {  	[dreg:$0x5] =	wrdreg $0x9  }
0xb2: {  	_ =	task.clear_ibuf [dreg:s7], $0x6FFFF;
	_ =	strace $0x90000049  }
0xb3: {  	s29 =	simm.s32 $0x9;
	_ =	strace $0x8000004B  }
0xb4: {  	_ =	swait.ge [sflag:s29], $0x1  }
0xb5: {  	[sflag:s29] =	ssyncadd.s32 $0xFFFFFFFF  }
0xb6: {  	_ =	strace $0x9000004B  }
0xb7: {  	_ =	sfence  }
0xb8: {  	s30 =	sld [smem:$0x0];
	_ =	sdelay $0x2  }
0xb9: {  	s31 =	sshll.u32 s1, $0xD;
	s1 =	sshrl.u32 s1, $0x2  }
0xba: {  	s3 =	sand.u32 $0x4000, s31;
	s1 =	sadd.s32 s1, s30  }
0xbb: {  	s0 =	sor.u32 s3, s0;
	s1 =	sshll.u32 s1, $0x11  }
0xbc: {  	s0 =	sor.u32 s1, s0  }
0xbd: {  	s0 =	sadd.s32 $0x8F2B, s0  }
0xbe: {  	[sflag:s0] =	ssyncadd.remote.s32 $0x1  }
0xbf: {  	_ =	sfence.sel $0xFFFF  }
0xc0: {  	[dreg:$0x0] =	wrdreg $0xFFFFFFFF;
	(pc) =	sbr.abs _section_cstart, $3  }
0xc1: {  	[dreg:$0x1] =	wrdreg $0xFFFFFFFF  }
0xc2: {  	_ =	task.clear_ibuf [dreg:s7], $0x2FFFF;
	_ =	strace $0x9FFFFFFF  }
0xc3: {  	(tm) =	ssettm $0x7FFFFFFF  }
tec
execute0_lowered:
.L_overlay_start_1:
0x0: {  	(tag) =	ssettag $0x1  }
0x1: {  	s1 =	rddreg [dreg:$0x0]  }
0x2: {  	s5 =	rddreg [dreg:$0x1]  }
0x3: {  	s3 =	rddreg [dreg:$0x2]  }
0x4: {  	s0 =	rddreg [dreg:$0x3];
	s2 =	stileid.u32  }
0x5: {  	s4 =	simm.s32 $0x0;
	s6 =	srdreg.scid;
	s7 =	smul.u32 $0x2780, s2  }
0x6: {  	s17 =	simm.s32 $0x1;
	s18 =	simm.s32 $0x0;
	s9 =	smul.u32 $0x4F000, s2  }
0x7: {  	[smem:$0x7FF] =	sst s4;
	s13 =	sand.u32 $0x1, s6;
	s29 =	smul.u32 $0x350, s2  }
0x8: {  	s12 =	sadd.s32 $0x1E00, s5;
	s11 =	sadd.s32 $0xBC00, s5;
	s16 =	smul.u32 $0x690, s2  }
0x9: {  	s28 =	sshll.u32 s2, $0x6;
	_ =	strace $0x8000004A;
	s6 =	smul.u32 $0x27800, s13  }
0xa: {  	s8 =	ssub.s32 $0x2, s13;
	p0 =	sne.s32 s13, $0x0;
	s10 =	sadd.s32 s7, s5  }
0xb: {  	s25 =	sshrl.u32 s8, $0x1;
	s26 =	sshrl.u32 s9, $0x2;
	s30 =	sadd.s32 s29, s11  }
0xc: {  	s31 =	sadd.s32 s29, s12;
	s11 =	sadd.s32 s16, s11;
	s12 =	sadd.s32 s16, s12  }
.Ltmp0:
0xd: {  	s16 =	simm.s32 $0x100;
	s6 =	sadd.s32 s7, s6;
	(pc) =	sbr.rel .LBB2_1-.Ltmp0, $4  }
0xe: {  	s8 =	ssub.s32 s8, s25;
	s15 =	sadd.s32 s26, s3;
	s9 =	sadd.s32 $0x6900, s30  }
0xf: {  	s14 =	sadd.s32 s6, s5;
	s5 =	sadd.s32 $0x15A00, s10;
	s6 =	sor.u32 $0x1C02, s28  }
0x10: {  	s8 =	smax.u32 s8, $0x1;
	s10 =	sadd.s32 $0x6900, s31;
	s13 =	sshrl.u32 s15, $0x3  }
0x11: {  	s15 =	simm.s32 $0x80;
	s7 =	sadd.s32 $0x3D200, s14;
	s14 =	simm.s32 $0x2  }
.LBB2_7:
0x12: {  	s20 =	sadd.s32 s19, s10;
	[sflag:s14] =	ssyncadd.s32 $0xFFFFC000  }
0x13: {  	[tilespmem:s4], [sflag:$0x2] =	stream.linear.gather [hbm4b:s20+s4], $0x80, $0x38;
	[tilespmem:$0x17D00] =	vst v63  }
0x14: {  	_ =	swait.ge [sflag:s14], $0x80  }
0x15: {  	[sflag:s14] =	ssyncset.done $0x0  }
0x16: {  	s31 =	sadd.s32 s19, s9;
	[sflag:s14] =	ssyncadd.s32 $0xFFFFFF80  }
0x17: {  	[tilespmem:s15], [sflag:$0x2] =	stream.linear.gather [hbm4b:s31+s4], $0x80, $0x38;
	[tilespmem:$0x17D00] =	vst v63  }
0x18: {  	_ =	swait.ge [sflag:s14], $0x80  }
0x19: {  	[sflag:s14] =	ssyncset.done $0x0  }
0x1a: {  	[sflag:s14] =	ssyncadd.s32 $0xFFFFFF80  }
0x1b: {  	[tilespmem:s16], [sflag:$0x1] =	stream.indirect.gather [hbm4b:s1+s15], $0x80, s4, s15, $0xb8;
	[tilespmem:$0x17D00] =	vst v63  }
0x1c: {  	_ =	swait.ge [sflag:s17], $0x4000  }
0x1d: {  	[sflag:s17] =	ssyncset.done $0x0  }
0x1e: {  	[sflag:s17] =	ssyncadd.s32 $0xFFFFC000  }
0x1f: {  	[spmem:s3] =	stream.indirect.scatter.add.f32 [tilespmem:s16], [sflag:$0x2], $0x80, s15, s15, $0xb8;
	[tilespmem:$0x17D00] =	vst v63  }
0x20: {  	_ =	swait.ge [sflag:s14], $0x4000  }
0x21: {  	[sflag:s14] =	ssyncset.done $0x0  }
0x22: {  	[sflag:s14] =	ssyncadd.s32 $0xFFFFC000  }
.LBB2_8:
0x23: {  	s18 =	sadd.s32 $0x1, s18  }
0x24: {  	p1 =	sne.s32 s18, s8  }
.Ltmp1:
0x25: {  	[bflag:$0x0] =	sbarrier.arrive $0xFFFF;
	(pc) =	sbr.rel @!p1 .LBB2_9-.Ltmp1, $4  }
0x26: {  	[hbm:s7], [sflag:s6] =	dma.local [spmem:s13], $0x2780  }
0x27: {  	_ =	swait.ge [sflag:s14], $0x2780  }
0x28: {  	[sflag:s14] =	ssyncset.done $0x0  }
0x29: {  	[sflag:s14] =	ssyncadd.s32 $0xFFFFD880  }
.LBB2_1:
0x2a: {  	[spmem:s13], [sflag:s6] =	dma.local [hbm:s5], $0x2780  }
.Ltmp2:
0x2b: {  	_ =	swait.ge [sflag:s14], $0x2780;
	(pc) =	sbr.rel @p0 .LBB2_5-.Ltmp2, $3  }
0x2c: {  	[sflag:s14] =	ssyncset.done $0x0  }
0x2d: {  	[sflag:s14] =	ssyncadd.s32 $0xFFFFD880  }
0x2e: {  	[bflag:$0x0] =	sbarrier.arrive $0xFFFF;
	_ =	sdelay $0x1  }
0x2f: {  	s19 =	sadd.s32 $0x0, s12  }
0x30: {  	[tilespmem:s4], [sflag:$0x2] =	stream.linear.gather [hbm4b:s19+s4], $0x80, $0x38;
	[tilespmem:$0x17D00] =	vst v63  }
0x31: {  	_ =	swait.ge [sflag:s14], $0x80  }
0x32: {  	[sflag:s14] =	ssyncset.done $0x0  }
0x33: {  	s31 =	sadd.s32 $0x0, s11;
	[sflag:s14] =	ssyncadd.s32 $0xFFFFFF80  }
0x34: {  	[tilespmem:s15], [sflag:$0x2] =	stream.linear.gather [hbm4b:s31+s4], $0x80, $0x38;
	[tilespmem:$0x17D00] =	vst v63  }
0x35: {  	_ =	swait.ge [sflag:s14], $0x80  }
0x36: {  	[sflag:s14] =	ssyncset.done $0x0  }
0x37: {  	[sflag:s14] =	ssyncadd.s32 $0xFFFFFF80  }
0x38: {  	[tilespmem:s16], [sflag:$0x1] =	stream.indirect.gather [hbm4b:s1+s15], $0x80, s4, s15, $0xb8;
	[tilespmem:$0x17D00] =	vst v63  }
0x39: {  	_ =	swait.ge [sflag:s17], $0x4000  }
0x3a: {  	[sflag:s17] =	ssyncset.done $0x0  }
0x3b: {  	[sflag:s17] =	ssyncadd.s32 $0xFFFFC000  }
0x3c: {  	[spmem:s3] =	stream.indirect.scatter.add.f32 [tilespmem:s16], [sflag:$0x2], $0x80, s15, s15, $0xb8;
	[tilespmem:$0x17D00] =	vst v63  }
0x3d: {  	_ =	swait.ge [sflag:s14], $0x4000  }
0x3e: {  	s20 =	simm.s32 $0x20;
	s19 =	simm.s32 $0x10;
	[sflag:s14] =	ssyncset.done $0x0  }
.LBB2_3:
0x3f: {  	s21 =	sadd.s32 s19, s12  }
0x40: {  	[sflag:s14] =	ssyncadd.s32 $0xFFFFC000;
	s22 =	smov.u32 s20;
	s23 =	sadd.s32 $0x10, s20  }
0x41: {  	[tilespmem:s4], [sflag:$0x2] =	stream.linear.gather [hbm4b:s21+s4], $0x80, $0x38;
	[tilespmem:$0x17D00] =	vst v63  }
0x42: {  	p1 =	seq.s32 s20, $0x680;
	_ =	swait.ge [sflag:s14], $0x80  }
0x43: {  	[sflag:s14] =	ssyncset.done $0x0  }
0x44: {  	s20 =	sadd.s32 s19, s11;
	s19 =	smov.u32 s22;
	[sflag:s14] =	ssyncadd.s32 $0xFFFFFF80  }
0x45: {  	[tilespmem:s15], [sflag:$0x2] =	stream.linear.gather [hbm4b:s20+s4], $0x80, $0x38;
	[tilespmem:$0x17D00] =	vst v63  }
0x46: {  	_ =	swait.ge [sflag:s14], $0x80  }
0x47: {  	[sflag:s14] =	ssyncset.done $0x0  }
0x48: {  	[sflag:s14] =	ssyncadd.s32 $0xFFFFFF80  }
0x49: {  	[tilespmem:s16], [sflag:$0x1] =	stream.indirect.gather [hbm4b:s1+s15], $0x80, s4, s15, $0xb8;
	[tilespmem:$0x17D00] =	vst v63  }
0x4a: {  	_ =	swait.ge [sflag:s17], $0x4000  }
.Ltmp3:
0x4b: {  	[sflag:s17] =	ssyncset.done $0x0;
	(pc) =	sbr.rel @!p1 .LBB2_3-.Ltmp3, $4  }
0x4c: {  	[sflag:s17] =	ssyncadd.s32 $0xFFFFC000  }
0x4d: {  	[spmem:s3] =	stream.indirect.scatter.add.f32 [tilespmem:s16], [sflag:$0x2], $0x80, s15, s15, $0xb8;
	[tilespmem:$0x17D00] =	vst v63  }
0x4e: {  	_ =	swait.ge [sflag:s14], $0x4000  }
0x4f: {  	s20 =	smov.u32 s23;
	[sflag:s14] =	ssyncset.done $0x0  }
0x50: {  	s20 =	sadd.s32 s19, s12;
	[sflag:s14] =	ssyncadd.s32 $0xFFFFC000  }
0x51: {  	[tilespmem:s4], [sflag:$0x2] =	stream.linear.gather [hbm4b:s20+s4], $0x80, $0x38;
	[tilespmem:$0x17D00] =	vst v63  }
0x52: {  	_ =	swait.ge [sflag:s14], $0x80  }
0x53: {  	[sflag:s14] =	ssyncset.done $0x0  }
0x54: {  	s31 =	sadd.s32 s19, s11;
	[sflag:s14] =	ssyncadd.s32 $0xFFFFFF80  }
0x55: {  	[tilespmem:s15], [sflag:$0x2] =	stream.linear.gather [hbm4b:s31+s4], $0x80, $0x38;
	[tilespmem:$0x17D00] =	vst v63  }
0x56: {  	_ =	swait.ge [sflag:s14], $0x80  }
0x57: {  	[sflag:s14] =	ssyncset.done $0x0  }
0x58: {  	[sflag:s14] =	ssyncadd.s32 $0xFFFFFF80  }
0x59: {  	[tilespmem:s16], [sflag:$0x1] =	stream.indirect.gather [hbm4b:s1+s15], $0x80, s4, s15, $0xb8;
	[tilespmem:$0x17D00] =	vst v63  }
0x5a: {  	_ =	swait.ge [sflag:s17], $0x4000  }
0x5b: {  	[sflag:s17] =	ssyncset.done $0x0  }
.Ltmp4:
0x5c: {  	[sflag:s17] =	ssyncadd.s32 $0xFFFFC000;
	(pc) =	sbr.rel .LBB2_8-.Ltmp4, $4  }
0x5d: {  	[spmem:s3] =	stream.indirect.scatter.add.f32 [tilespmem:s16], [sflag:$0x2], $0x80, s15, s15, $0xb8;
	[tilespmem:$0x17D00] =	vst v63  }
0x5e: {  	_ =	swait.ge [sflag:s14], $0x4000  }
0x5f: {  	[sflag:s14] =	ssyncset.done $0x0  }
0x60: {  	[sflag:s14] =	ssyncadd.s32 $0xFFFFC000  }
.LBB2_5:
0x61: {  	s19 =	sadd.s32 $0x0, s10  }
0x62: {  	[tilespmem:s4], [sflag:$0x2] =	stream.linear.gather [hbm4b:s19+s4], $0x80, $0x38;
	[tilespmem:$0x17D00] =	vst v63  }
0x63: {  	_ =	swait.ge [sflag:s14], $0x80  }
0x64: {  	[sflag:s14] =	ssyncset.done $0x0  }
0x65: {  	s31 =	sadd.s32 $0x0, s9;
	[sflag:s14] =	ssyncadd.s32 $0xFFFFFF80  }
0x66: {  	[tilespmem:s15], [sflag:$0x2] =	stream.linear.gather [hbm4b:s31+s4], $0x80, $0x38;
	[tilespmem:$0x17D00] =	vst v63  }
0x67: {  	_ =	swait.ge [sflag:s14], $0x80  }
0x68: {  	[sflag:s14] =	ssyncset.done $0x0  }
0x69: {  	[sflag:s14] =	ssyncadd.s32 $0xFFFFFF80  }
0x6a: {  	[tilespmem:s16], [sflag:$0x1] =	stream.indirect.gather [hbm4b:s1+s15], $0x80, s4, s15, $0xb8;
	[tilespmem:$0x17D00] =	vst v63  }
0x6b: {  	_ =	swait.ge [sflag:s17], $0x4000  }
0x6c: {  	[sflag:s17] =	ssyncset.done $0x0  }
0x6d: {  	[sflag:s17] =	ssyncadd.s32 $0xFFFFC000  }
0x6e: {  	[spmem:s3] =	stream.indirect.scatter.add.f32 [tilespmem:s16], [sflag:$0x2], $0x80, s15, s15, $0xb8;
	[tilespmem:$0x17D00] =	vst v63  }
0x6f: {  	_ =	swait.ge [sflag:s14], $0x4000  }
0x70: {  	s20 =	simm.s32 $0x20;
	s19 =	simm.s32 $0x10;
	[sflag:s14] =	ssyncset.done $0x0  }
.LBB2_6:
0x71: {  	s21 =	sadd.s32 s19, s10  }
0x72: {  	[sflag:s14] =	ssyncadd.s32 $0xFFFFC000;
	s22 =	smov.u32 s20;
	s23 =	sadd.s32 $0x10, s20  }
0x73: {  	[tilespmem:s4], [sflag:$0x2] =	stream.linear.gather [hbm4b:s21+s4], $0x80, $0x38;
	[tilespmem:$0x17D00] =	vst v63  }
0x74: {  	p1 =	sne.s32 s20, $0x340;
	_ =	swait.ge [sflag:s14], $0x80  }
0x75: {  	[sflag:s14] =	ssyncset.done $0x0  }
0x76: {  	s20 =	sadd.s32 s19, s9;
	s19 =	smov.u32 s22;
	[sflag:s14] =	ssyncadd.s32 $0xFFFFFF80  }
0x77: {  	[tilespmem:s15], [sflag:$0x2] =	stream.linear.gather [hbm4b:s20+s4], $0x80, $0x38;
	[tilespmem:$0x17D00] =	vst v63  }
0x78: {  	_ =	swait.ge [sflag:s14], $0x80  }
0x79: {  	[sflag:s14] =	ssyncset.done $0x0  }
0x7a: {  	[sflag:s14] =	ssyncadd.s32 $0xFFFFFF80  }
0x7b: {  	[tilespmem:s16], [sflag:$0x1] =	stream.indirect.gather [hbm4b:s1+s15], $0x80, s4, s15, $0xb8;
	[tilespmem:$0x17D00] =	vst v63  }
0x7c: {  	_ =	swait.ge [sflag:s17], $0x4000  }
.Ltmp5:
0x7d: {  	[sflag:s17] =	ssyncset.done $0x0;
	(pc) =	sbr.rel @p1 .LBB2_6-.Ltmp5, $4  }
0x7e: {  	[sflag:s17] =	ssyncadd.s32 $0xFFFFC000  }
0x7f: {  	[spmem:s3] =	stream.indirect.scatter.add.f32 [tilespmem:s16], [sflag:$0x2], $0x80, s15, s15, $0xb8;
	[tilespmem:$0x17D00] =	vst v63  }
0x80: {  	_ =	swait.ge [sflag:s14], $0x4000  }
0x81: {  	s20 =	smov.u32 s23;
	[sflag:s14] =	ssyncset.done $0x0  }
.Ltmp6:
0x82: {  	_ = 	snop;
	(pc) =	sbr.rel .LBB2_7-.Ltmp6, $1  }
0x83: {  	_ =	sdelay $0x3  }
.LBB2_9:
0x84: {  	_ =	sfence.sel $0x180000  }
0x85: {  	[bflag:$0x0] =	sbarrier.arrive $0xFFFF  }
0x86: {  	p0 =	sne.s32 s2, $0x0;
	_ =	strace $0x9000004A  }
0x87: {  	s0 =	sadd.s32 @!p0 $0x100000, s0;
	[bflag:$0x2] =	sbarrier.arrive $0xFFFF  }
0x88: {  	[sflag:s0] =	ssyncadd.tile.s32 @!p0 $0x1;
	_ =	shalt  }
.Lfunc_end2:
_tile_overlayer_lowered:
.L_overlay_start_2:
0x89: {  	(tag) =	ssettag $0x2  }
0x8a: {  	s0 =	rddreg [dreg:$0x0];
	s2 =	stileid.u32  }
0x8b: {  	s1 =	rddreg [dreg:$0x1];
	p0 =	sne.s32 s2, $0x0  }
0x8c: {  	s3 =	rddreg [dreg:$0x2];
	[bflag:$0x3] =	sbarrier.arrive $0xFFFF;
	s2 =	simm.s32 @!p0 $0x1C02  }
0x8d: {  	[timem:s3], [sflag:s2] =	dma.local @!p0 [hbm:s0], s1  }
0x8e: {  	s0 =	simm.s32 @!p0 $0x2  }
0x8f: {  	_ =	swait.ge @!p0 [sflag:s0], s1  }
0x90: {  	s1 =	ssub.s32 @!p0 $0x0, s1;
	[sflag:s0] =	ssyncset.done @!p0 $0x0  }
0x91: {  	[sflag:s0] =	ssyncadd.s32 @!p0 s1  }
0x92: {  	[bflag:$0x3] =	sbarrier.arrive $0xFFFF  }
0x93: {  	_ =	shalt  }

// kernel: kernel.8.cloned.1.call-start
scs
__scs_entry_jumppad:
0x0: {  	(pc) =	sbr.rel $0x88, $3  }
0x1: {  	(tag) =	ssettag $0x0;
	lr =	simm.s32 $0x1  }
0x2: {  	[smem:$0x3F99] =	sst lr;
	_ =	strace $0xD0000000  }
0x3: {  	_ = 	snop  }
0x4: {  	_ = 	snop  }
0x5: {  	_ = 	snop  }
0x6: {  	_ = 	snop  }
0x7: {  	_ = 	snop  }
__scs_overlays_trampoline_lowered:
0x8: {  	[smem:$0x3FA8] =	sst s0  }
0x9: {  	[smem:$0x3FA9] =	sst s1  }
0xa: {  	[smem:$0x3FAA] =	sst s2  }
0xb: {  	[smem:$0x3FAB] =	sst s3  }
0xc: {  	[smem:$0x3FAC] =	sst s4  }
0xd: {  	[smem:$0x3FAD] =	sst s5  }
0xe: {  	[smem:$0x3FAE] =	sst s6  }
0xf: {  	[smem:$0x3FAF] =	sst s7  }
0x10: {  	[smem:$0x3FB0] =	sst s8  }
0x11: {  	[smem:$0x3FB1] =	sst s9;
	s0 =	simm.s32 @!p0 $0x0  }
0x12: {  	s1 =	sld [smem:$0x3F97];
	s0 =	simm.s32 @p0 $0x1  }
0x13: {  	[smem:$0x3FB2] =	sst s0;
	s0 =	simm.s32 @!p1 $0x0  }
0x14: {  	s2 =	sld [smem:$0x3F96];
	s0 =	simm.s32 @p1 $0x1  }
0x15: {  	[smem:$0x3FB3] =	sst s0;
	s0 =	simm.s32 @!p2 $0x0  }
0x16: {  	s3 =	sld [smem:$0x3FDB];
	s0 =	simm.s32 @p2 $0x1  }
0x17: {  	s4 =	simm.s32 $0x1BF5;
	[smem:$0x3FB5] =	sst s0  }
0x18: {  	s0 =	sld [smem:$0x3F98];
	_ =	swait.ge [sflag:s4], $0x0  }
0x19: {  	s7 =	sld [smem:$0x3F99]  }
0x1a: {  	s8 =	sadd.s32 $0xFFFFE003, lr  }
0x1b: {  	s9 =	sadd.s32 $0xFFFFFEF7, lr;
	s5 =	simm.s32 $0xFFFFFFFF;
	p2 =	slt.u32 s8, $0xFFFFF086  }
0x1c: {  	p1 =	slt.u32 s9, $0xF7A;
	s5 =	simm.s32 @!p2 $0x0  }
0x1d: {  	s5 =	simm.s32 @p1 $0x1;
	p0 =	seq.s32 s7, s2  }
0x1e: {  	s7 =	smul.u32 @!p0 $0xF7A, s2;
	p2 =	seq.s32 @!p0 s5, $0x0  }
0x1f: {  	s9 =	smul.u32 $0xF7A, s1;
	s8 =	simm.s32 @!p0 $0x1BF5;
	p2 =	por !p2, p0  }
0x20: {  	[sflag:s8] =	ssyncset.s32 @!p0 $0xFFFFF086;
	s6 =	sadd.s32 @!p0 s3, s7;
	s7 =	simm.s32 @!p0 $0x108  }
0x21: {  	s3 =	sadd.s32 s3, s9;
	s6 =	sadd.s32 @!p0 $0x88, s6;
	s7 =	simm.s32 @p2 $0x1082  }
0x22: {  	[simem:s7], [sflag:s8] =	dma.local @!p0 [hbm:s6], $0xF7A  }
0x23: {  	s9 =	sor.u32 $0xD0000000, s2;
	s6 =	simm.s32 $0x108;
	_ =	swait.ge @!p0 [sflag:s8], $0x0  }
0x24: {  	s3 =	sadd.s32 $0x88, s3;
	s6 =	simm.s32 @!p1 $0x1082;
	[sflag:s4] =	ssyncset.s32 $0xFFFFF086  }
0x25: {  	[simem:s6], [sflag:s4] =	dma.local [hbm:s3], $0xF7A  }
0x26: {  	[smem:$0x3F99] =	sst s1;
	(tag) =	ssettag s2;
	_ =	strace s9  }
0x27: {  	s1 =	sld [smem:$0x3FA9]  }
0x28: {  	s2 =	sld [smem:$0x3FAA]  }
0x29: {  	s4 =	sld [smem:$0x3FAC]  }
0x2a: {  	p0 =	seq.s32 s5, $0x0;
	s5 =	sld [smem:$0x3FAD]  }
0x2b: {  	s6 =	sld [smem:$0x3FAE]  }
0x2c: {  	s7 =	sld [smem:$0x3FAF]  }
0x2d: {  	s3 =	simm.s32 $0x108;
	s8 =	sld [smem:$0x3FB0]  }
0x2e: {  	s3 =	simm.s32 @!p0 $0x1082;
	s9 =	sld [smem:$0x3FB1]  }
0x2f: {  	lr =	sadd.s32 s0, s3;
	s0 =	sld [smem:$0x3FA8]  }
0x30: {  	s3 =	sld [smem:$0x3FAB]  }
0x31: {  	[smem:$0x3FB4] =	sst s10  }
0x32: {  	s10 =	sld [smem:$0x3FB2];
	_ =	sdelay $0x3  }
0x33: {  	p0 =	seq.s32 s10, $0x1;
	s10 =	sld [smem:$0x3FB4];
	_ =	sdelay $0x3  }
0x34: {  	[smem:$0x3FB4] =	sst s10  }
0x35: {  	s10 =	sld [smem:$0x3FB3];
	_ =	sdelay $0x3  }
0x36: {  	p1 =	seq.s32 s10, $0x1;
	s10 =	sld [smem:$0x3FB4];
	_ =	sdelay $0x3  }
0x37: {  	[smem:$0x3FB4] =	sst s10  }
0x38: {  	s10 =	sld [smem:$0x3FB5]  }
0x39: {  	_ = 	snop;
	(pc) =	sbr.ind lr, $3  }
0x3a: {  	_ = 	snop  }
0x3b: {  	_ = 	snop  }
0x3c: {  	p2 =	seq.s32 s10, $0x1;
	s10 =	sld [smem:$0x3FB4]  }
0x3d: {  	_ =	shalt  }
0x3e: {  	_ =	shalt  }
0x3f: {  	_ =	shalt  }
0x40: {  	_ =	shalt  }
0x41: {  	_ =	shalt  }
0x42: {  	_ =	shalt  }
0x43: {  	_ =	shalt  }
0x44: {  	_ =	shalt  }
0x45: {  	_ =	shalt  }
0x46: {  	_ =	shalt  }
0x47: {  	_ =	shalt  }
0x48: {  	_ =	shalt  }
0x49: {  	_ =	shalt  }
0x4a: {  	_ =	shalt  }
0x4b: {  	_ =	shalt  }
0x4c: {  	_ =	shalt  }
0x4d: {  	_ =	shalt  }
0x4e: {  	_ =	shalt  }
0x4f: {  	_ =	shalt  }
0x50: {  	_ =	shalt  }
0x51: {  	_ =	shalt  }
0x52: {  	_ =	shalt  }
0x53: {  	_ =	shalt  }
0x54: {  	_ =	shalt  }
0x55: {  	_ =	shalt  }
0x56: {  	_ =	shalt  }
0x57: {  	_ =	shalt  }
0x58: {  	_ =	shalt  }
0x59: {  	_ =	shalt  }
0x5a: {  	_ =	shalt  }
0x5b: {  	_ =	shalt  }
0x5c: {  	_ =	shalt  }
0x5d: {  	_ =	shalt  }
0x5e: {  	_ =	shalt  }
0x5f: {  	_ =	shalt  }
0x60: {  	_ =	shalt  }
0x61: {  	_ =	shalt  }
0x62: {  	_ =	shalt  }
0x63: {  	_ =	shalt  }
0x64: {  	_ =	shalt  }
0x65: {  	_ =	shalt  }
0x66: {  	_ =	shalt  }
0x67: {  	_ =	shalt  }
0x68: {  	_ =	shalt  }
0x69: {  	_ =	shalt  }
0x6a: {  	_ =	shalt  }
0x6b: {  	_ =	shalt  }
0x6c: {  	_ =	shalt  }
0x6d: {  	_ =	shalt  }
0x6e: {  	_ =	shalt  }
0x6f: {  	_ =	shalt  }
0x70: {  	_ =	shalt  }
0x71: {  	_ =	shalt  }
0x72: {  	_ =	shalt  }
0x73: {  	_ =	shalt  }
0x74: {  	_ =	shalt  }
0x75: {  	_ =	shalt  }
0x76: {  	_ =	shalt  }
0x77: {  	_ =	shalt  }
0x78: {  	_ =	shalt  }
0x79: {  	_ =	shalt  }
0x7a: {  	_ =	shalt  }
0x7b: {  	_ =	shalt  }
0x7c: {  	_ =	shalt  }
0x7d: {  	_ =	shalt  }
0x7e: {  	_ =	shalt  }
0x7f: {  	_ =	shalt  }
0x80: {  	_ =	shalt  }
0x81: {  	_ =	shalt  }
0x82: {  	_ =	shalt  }
0x83: {  	_ =	shalt  }
0x84: {  	_ =	shalt  }
0x85: {  	_ =	shalt  }
0x86: {  	_ =	shalt  }
0x87: {  	_ =	shalt  }
.Lfunc_end0:
.L_simem_size_0:
called_computation_lowered:
.L_overlay_start_0:
0x88: {  	s2 =	sld [smem:$0x3FD9]  }
0x89: {  	s3 =	sld [smem:$0x3FFE];
	_ =	sdelay $0x1  }
0x8a: {  	s1 =	srdreg.scid  }
0x8b: {  	s0 =	sand.u32 $0x1, s1  }
0x8c: {  	s17 =	sshll.u32 s0, $0xA;
	s2 =	sadd.s32 s3, s2  }
0x8d: {  	s2 =	sadd.s32 s2, s17  }
0x8e: {  	[smem:$0x3FC0] =	sst s2  }
0x8f: {  	_ = 	snop  }
0x90: {  	s2 =	sld [smem:$0x3FC9]  }
0x91: {  	s18 =	sld [smem:$0x3FD0];
	(tm) =	ssettm $0x1  }
0x92: {  	s4 =	sld [smem:$0x3FFB];
	_ =	sdelay $0x3  }
0x93: {  	_ =	strace s4  }
0x94: {  	s4 =	sld [smem:$0x3FFC];
	_ =	sdelay $0x3  }
0x95: {  	_ =	strace s4  }
0x96: {  	s4 =	sld [smem:$0x3FFD];
	_ =	sdelay $0x3  }
0x97: {  	_ =	strace s4  }
0x98: {  	_ =	strace $0x8FFFFFFF  }
0x99: {  	s19 =	sld [smem:$0x3FDB];
	_ =	sdelay $0x1  }
0x9a: {  	s5 =	simm.s32 $_scs_section_size  }
0x9b: {  	s6 =	simm.s32 $_size__tile_overlayer_lowered;
	s7 =	simm.s32 $_tile_overlayer_lowered  }
0x9c: {  	s22 =	simm.s32 $0x1BFF;
	s21 =	sshll.u32 s7, $0x1;
	s4 =	sadd.s32 s5, s19  }
0x9d: {  	s8 =	simm.s32 $0x0;
	s20 =	sshll.u32 s6, $0x1;
	s6 =	sadd.s32 s21, s4  }
0x9e: {  	[timem:s8], [sflag:s22] =	dma.local [hbm:s6], s20  }
0x9f: {  	_ =	swait.ge [sflag:s22], s20  }
0xa0: {  	s5 =	ssub.s32 $0x0, s20;
	[sflag:s22] =	ssyncset.done $0x0  }
0xa1: {  	[sflag:s22] =	ssyncadd.s32 s5;
	_ =	sdelay $0x1  }
0xa2: {  	s23 =	simm.s32 $0x1B8B  }
0xa3: {  	_ =	swait.ge [sflag:s23], $0x1  }
0xa4: {  	[sflag:s23] =	ssyncset.done $0x0  }
0xa5: {  	s25 =	simm.s32 $0x1B8E;
	s24 =	sld [smem:$0x3FFE];
	[sflag:s23] =	ssyncadd.s32 $0xFFFFFFFF  }
0xa6: {  	s26 =	simm.s32 $execute0_lowered;
	[smem:$0x3FD2] =	sst s25  }
0xa7: {  	s6 =	sshll.u32 s26, $0x1;
	_ =	strace $0x80000046;
	[dreg:$0x1] =	wrdreg $0xFFFFFFFF  }
0xa8: {  	s28 =	simm.s32 $_size_execute0_lowered;
	s4 =	sadd.s32 s4, s6;
	[dreg:$0x0] =	wrdreg $0x0  }
0xa9: {  	s6 =	sshll.u32 s28, $0x1;
	[dreg:$0x2] =	wrdreg s4  }
0xaa: {  	[dreg:$0x3] =	wrdreg s6  }
0xab: {  	[dreg:$0x4] =	wrdreg $0xC0  }
0xac: {  	_ =	task [dreg:s8], $0x5FFFF  }
0xad: {  	[dreg:$0x1] =	wrdreg $0xFFFFFFFF  }
0xae: {  	[dreg:$0x0] =	wrdreg $0x60  }
0xaf: {  	[dreg:$0x2] =	wrdreg s2  }
0xb0: {  	[dreg:$0x3] =	wrdreg s24  }
0xb1: {  	[dreg:$0x4] =	wrdreg s18  }
0xb2: {  	[dreg:$0x5] =	wrdreg $0x41000  }
0xb3: {  	[dreg:$0x6] =	wrdreg $0x9  }
0xb4: {  	_ =	task.clear_ibuf [dreg:s8], $0x7FFFF;
	_ =	strace $0x90000046  }
0xb5: {  	s29 =	simm.s32 $0x9;
	_ =	strace $0x80000048  }
0xb6: {  	_ =	swait.ge [sflag:s29], $0x1  }
0xb7: {  	[sflag:s29] =	ssyncadd.s32 $0xFFFFFFFF  }
0xb8: {  	_ =	strace $0x90000048  }
0xb9: {  	_ =	sfence  }
0xba: {  	s30 =	sld [smem:$0x0];
	_ =	sdelay $0x2  }
0xbb: {  	s31 =	sshll.u32 s1, $0xD;
	s1 =	sshrl.u32 s1, $0x2  }
0xbc: {  	s3 =	sand.u32 $0x4000, s31;
	s1 =	sadd.s32 s1, s30  }
0xbd: {  	s0 =	sor.u32 s3, s0;
	s1 =	sshll.u32 s1, $0x11  }
0xbe: {  	s0 =	sor.u32 s1, s0  }
0xbf: {  	s0 =	sadd.s32 $0x8F2B, s0  }
0xc0: {  	[sflag:s0] =	ssyncadd.remote.s32 $0x1  }
0xc1: {  	_ =	sfence.sel $0xFFFF  }
0xc2: {  	[dreg:$0x0] =	wrdreg $0xFFFFFFFF;
	(pc) =	sbr.abs _section_cstart, $3  }
0xc3: {  	[dreg:$0x1] =	wrdreg $0xFFFFFFFF  }
0xc4: {  	_ =	task.clear_ibuf [dreg:s8], $0x2FFFF;
	_ =	strace $0x9FFFFFFF  }
0xc5: {  	(tm) =	ssettm $0x7FFFFFFF  }
tec
execute0_lowered:
.L_overlay_start_1:
0x0: {  	(tag) =	ssettag $0x1  }
0x1: {  	s1 =	rddreg [dreg:$0x0]  }
0x2: {  	s5 =	rddreg [dreg:$0x1]  }
0x3: {  	s8 =	rddreg [dreg:$0x2]  }
0x4: {  	s3 =	rddreg [dreg:$0x3]  }
0x5: {  	s0 =	rddreg [dreg:$0x4]  }
0x6: {  	s4 =	simm.s32 $0x0;
	s2 =	stileid.u32;
	s6 =	srdreg.scid  }
0x7: {  	s19 =	simm.s32 $0x17D00;
	s20 =	simm.s32 $0x0;
	s7 =	smul.u32 $0x2780, s2  }
0x8: {  	[smem:$0x7FF] =	sst s4;
	s14 =	sand.u32 $0x1, s6;
	s10 =	smul.u32 $0x4F000, s2  }
0x9: {  	s13 =	sadd.s32 $0x1E00, s5;
	s12 =	sadd.s32 $0xBC00, s5;
	s17 =	smul.u32 $0x350, s2  }
0xa: {  	s24 =	sshll.u32 s2, $0x1;
	s28 =	sshll.u32 s2, $0x6;
	s18 =	smul.u32 $0x690, s2  }
0xb: {  	_ =	strace $0x80000047;
	s6 =	smul.u32 $0x27800, s14;
	s22 =	ssub.s32 $0x2, s14  }
0xc: {  	s25 =	sor.u32 s14, s24;
	p0 =	sne.s32 s14, $0x0;
	s9 =	sadd.s32 s7, s5  }
0xd: {  	s23 =	sshrl.u32 s22, $0x1;
	s26 =	sshrl.u32 s10, $0x2;
	s29 =	smul.u32 $0x4F0, s25  }
0xe: {  	s30 =	sadd.s32 s17, s12;
	s31 =	sadd.s32 s17, s13;
	s12 =	sadd.s32 s18, s12  }
0xf: {  	s13 =	sadd.s32 s18, s13;
	s17 =	simm.s32 $0x100;
	s18 =	simm.s32 $0x1  }
.Ltmp0:
0x10: {  	s6 =	sadd.s32 s7, s6;
	s15 =	ssub.s32 s22, s23;
	(pc) =	sbr.rel .LBB2_1-.Ltmp0, $4  }
0x11: {  	s16 =	sadd.s32 s26, s3;
	s10 =	sadd.s32 $0x6900, s30;
	s11 =	sadd.s32 s6, s5  }
0x12: {  	s5 =	sadd.s32 $0x15A00, s9;
	s6 =	sor.u32 $0x1C02, s28;
	s8 =	sadd.s32 s8, s29  }
0x13: {  	s9 =	smax.u32 s15, $0x1;
	s14 =	sshrl.u32 s16, $0x3;
	s15 =	simm.s32 $0x2  }
0x14: {  	v0 =	vimm.f32 $0.0e+00;
	v1 =	vimm.f32 $1.000000000e+00;
	s16 =	simm.s32 $0x80;
	s7 =	sadd.s32 $0x3D200, s11;
	s11 =	sadd.s32 $0x6900, s31  }
.LBB2_6:
0x15: {  	[bflag:$0x0] =	sbarrier.arrive $0xFFFF  }
0x16: {  	[hbm:s7], [sflag:s6] =	dma.local [spmem:s14], $0x2780  }
0x17: {  	s20 =	sadd.s32 $0x1, s20;
	_ =	swait.ge [sflag:s15], $0x2780  }
0x18: {  	p1 =	sne.s32 s20, s9;
	[sflag:s15] =	ssyncset.done $0x0  }
.Ltmp1:
0x19: {  	[sflag:s15] =	ssyncadd.s32 $0xFFFFD880;
	(pc) =	sbr.rel @!p1 .LBB2_7-.Ltmp1, $4  }
0x1a: {  	[hbm4b:s8+s4] =	stream.linear.scatter [tilespmem:s19], [sflag:$0x2], $0x2780, $0x38;
	[tilespmem:$0x1A480] =	vst v63  }
0x1b: {  	_ =	swait.ge [sflag:s15], $0x2780  }
0x1c: {  	[sflag:s15] =	ssyncset.done $0x0  }
0x1d: {  	[sflag:s15] =	ssyncadd.s32 $0xFFFFD880  }
.LBB2_1:
0x1e: {  	s21 =	simm.s32 $0x40;
	s22 =	simm.s32 $0x0  }
.LBB2_2:
0x1f: {  	p1 =	sne.s32 s21, $0x9DC0;
	[tilespmem:s22+$0x17D00] =	vst v0;
	s22 =	smov.u32 s21;
	s21 =	sadd.s32 $0x40, s21  }
.Ltmp2:
0x20: {  	(pc) =	sbr.rel @p1 .LBB2_2-.Ltmp2, $2  }
0x21: {  	_ =	sdelay $0x2  }
0x22: {  	s22 =	sshra.s32 s22, $0x2  }
0x23: {  	[tilespmem:s22+$0x17D00] =	vst v0  }
0x24: {  	[spmem:s14], [sflag:s6] =	dma.local [hbm:s5], $0x2780  }
.Ltmp3:
0x25: {  	_ =	swait.ge [sflag:s15], $0x2780;
	(pc) =	sbr.rel @p0 .LBB2_5-.Ltmp3, $4  }
0x26: {  	[sflag:s15] =	ssyncset.done $0x0  }
0x27: {  	[sflag:s15] =	ssyncadd.s32 $0xFFFFD880  }
0x28: {  	[bflag:$0x0] =	sbarrier.arrive $0xFFFF  }
0x29: {  	s21 =	simm.s32 $0x0  }
.LBB2_4:
0x2a: {  	s22 =	sadd.s32 s21, s13  }
0x2b: {  	[tilespmem:s4], [sflag:$0x2] =	stream.linear.gather [hbm4b:s22+s4], $0x80, $0x38;
	[tilespmem:$0x1A480] =	vst v63  }
0x2c: {  	_ =	swait.ge [sflag:s15], $0x80  }
0x2d: {  	[sflag:s15] =	ssyncset.done $0x0  }
0x2e: {  	s31 =	sadd.s32 s21, s12;
	[sflag:s15] =	ssyncadd.s32 $0xFFFFFF80  }
0x2f: {  	[tilespmem:s16], [sflag:$0x2] =	stream.linear.gather [hbm4b:s31+s4], $0x80, $0x38;
	[tilespmem:$0x1A480] =	vst v63  }
0x30: {  	_ =	swait.ge [sflag:s15], $0x80  }
0x31: {  	[sflag:s15] =	ssyncset.done $0x0  }
0x32: {  	[sflag:s15] =	ssyncadd.s32 $0xFFFFFF80  }
0x33: {  	[tilespmem:s17], [sflag:$0x1] =	stream.indirect.gather [hbm4b:s1+s16], $0x80, s4, s16, $0xb8;
	[tilespmem:$0x1A480] =	vst v63  }
0x34: {  	_ =	swait.ge [sflag:s18], $0x4000  }
0x35: {  	[sflag:s18] =	ssyncset.done $0x0  }
0x36: {  	[sflag:s18] =	ssyncadd.s32 $0xFFFFC000  }
0x37: {  	[spmem:s3] =	stream.indirect.scatter.add.f32 [tilespmem:s17], [sflag:$0x2], $0x80, s16, s16, $0xb8;
	[tilespmem:$0x1A480] =	vst v63  }
0x38: {  	_ =	swait.ge [sflag:s15], $0x4000  }
0x39: {  	[sflag:s15] =	ssyncset.done $0x0  }
0x3a: {  	[sflag:s15] =	ssyncadd.s32 $0xFFFFC000  }
0x3b: {  	v2 =	vld [tilespmem:$0x80];
	_ =	sdelay $0x7  }
0x3c: {  	[tilespmem:v2+s19+$0x0] =	vst.idx.add.f32.msk $0xffff, v1  }
0x3d: {  	v2 =	vld [tilespmem:$0x90];
	_ =	sdelay $0x7  }
0x3e: {  	[tilespmem:v2+s19+$0x0] =	vst.idx.add.f32.msk $0xffff, v1  }
0x3f: {  	v2 =	vld [tilespmem:$0xA0];
	_ =	sdelay $0x7  }
0x40: {  	[tilespmem:v2+s19+$0x0] =	vst.idx.add.f32.msk $0xffff, v1  }
0x41: {  	v2 =	vld [tilespmem:$0xB0];
	_ =	sdelay $0x7  }
0x42: {  	[tilespmem:v2+s19+$0x0] =	vst.idx.add.f32.msk $0xffff, v1  }
0x43: {  	v2 =	vld [tilespmem:$0xC0];
	_ =	sdelay $0x7  }
0x44: {  	[tilespmem:v2+s19+$0x0] =	vst.idx.add.f32.msk $0xffff, v1  }
0x45: {  	v2 =	vld [tilespmem:$0xD0];
	_ =	sdelay $0x7  }
0x46: {  	[tilespmem:v2+s19+$0x0] =	vst.idx.add.f32.msk $0xffff, v1  }
0x47: {  	v2 =	vld [tilespmem:$0xE0];
	_ =	sdelay $0x7  }
0x48: {  	[tilespmem:v2+s19+$0x0] =	vst.idx.add.f32.msk $0xffff, v1  }
0x49: {  	v2 =	vld [tilespmem:$0xF0];
	_ =	sdelay $0x2  }
0x4a: {  	p1 =	seq.s32 s21, $0x680  }
.Ltmp4:
0x4b: {  	_ = 	snop;
	(pc) =	sbr.rel @!p1 .LBB2_4-.Ltmp4, $2  }
0x4c: {  	_ =	sdelay $0x2  }
0x4d: {  	s21 =	sadd.s32 $0x10, s21;
	[tilespmem:v2+s19+$0x0] =	vst.idx.add.f32.msk $0xffff, v1  }
.Ltmp5:
0x4e: {  	_ = 	snop;
	(pc) =	sbr.rel .LBB2_6-.Ltmp5, $1  }
0x4f: {  	_ =	sdelay $0x3  }
.LBB2_5:
0x50: {  	s22 =	sadd.s32 s21, s11  }
0x51: {  	[tilespmem:s4], [sflag:$0x2] =	stream.linear.gather [hbm4b:s22+s4], $0x80, $0x38;
	[tilespmem:$0x1A480] =	vst v63  }
0x52: {  	_ =	swait.ge [sflag:s15], $0x80  }
0x53: {  	[sflag:s15] =	ssyncset.done $0x0  }
0x54: {  	s31 =	sadd.s32 s21, s10;
	[sflag:s15] =	ssyncadd.s32 $0xFFFFFF80  }
0x55: {  	[tilespmem:s16], [sflag:$0x2] =	stream.linear.gather [hbm4b:s31+s4], $0x80, $0x38;
	[tilespmem:$0x1A480] =	vst v63  }
0x56: {  	_ =	swait.ge [sflag:s15], $0x80  }
0x57: {  	[sflag:s15] =	ssyncset.done $0x0  }
0x58: {  	[sflag:s15] =	ssyncadd.s32 $0xFFFFFF80  }
0x59: {  	[tilespmem:s17], [sflag:$0x1] =	stream.indirect.gather [hbm4b:s1+s16], $0x80, s4, s16, $0xb8;
	[tilespmem:$0x1A480] =	vst v63  }
0x5a: {  	_ =	swait.ge [sflag:s18], $0x4000  }
0x5b: {  	[sflag:s18] =	ssyncset.done $0x0  }
0x5c: {  	[sflag:s18] =	ssyncadd.s32 $0xFFFFC000  }
0x5d: {  	[spmem:s3] =	stream.indirect.scatter.add.f32 [tilespmem:s17], [sflag:$0x2], $0x80, s16, s16, $0xb8;
	[tilespmem:$0x1A480] =	vst v63  }
0x5e: {  	_ =	swait.ge [sflag:s15], $0x4000  }
0x5f: {  	[sflag:s15] =	ssyncset.done $0x0  }
0x60: {  	[sflag:s15] =	ssyncadd.s32 $0xFFFFC000  }
0x61: {  	v2 =	vld [tilespmem:$0x80];
	_ =	sdelay $0x7  }
0x62: {  	[tilespmem:v2+s19+$0x0] =	vst.idx.add.f32.msk $0xffff, v1  }
0x63: {  	v2 =	vld [tilespmem:$0x90];
	_ =	sdelay $0x7  }
0x64: {  	[tilespmem:v2+s19+$0x0] =	vst.idx.add.f32.msk $0xffff, v1  }
0x65: {  	v2 =	vld [tilespmem:$0xA0];
	_ =	sdelay $0x7  }
0x66: {  	[tilespmem:v2+s19+$0x0] =	vst.idx.add.f32.msk $0xffff, v1  }
0x67: {  	v2 =	vld [tilespmem:$0xB0];
	_ =	sdelay $0x7  }
0x68: {  	[tilespmem:v2+s19+$0x0] =	vst.idx.add.f32.msk $0xffff, v1  }
0x69: {  	v2 =	vld [tilespmem:$0xC0];
	_ =	sdelay $0x7  }
0x6a: {  	[tilespmem:v2+s19+$0x0] =	vst.idx.add.f32.msk $0xffff, v1  }
0x6b: {  	v2 =	vld [tilespmem:$0xD0];
	_ =	sdelay $0x7  }
0x6c: {  	[tilespmem:v2+s19+$0x0] =	vst.idx.add.f32.msk $0xffff, v1  }
0x6d: {  	v2 =	vld [tilespmem:$0xE0];
	_ =	sdelay $0x7  }
0x6e: {  	[tilespmem:v2+s19+$0x0] =	vst.idx.add.f32.msk $0xffff, v1  }
0x6f: {  	v2 =	vld [tilespmem:$0xF0];
	_ =	sdelay $0x2  }
0x70: {  	p1 =	sne.s32 s21, $0x340  }
.Ltmp6:
0x71: {  	_ = 	snop;
	(pc) =	sbr.rel @p1 .LBB2_5-.Ltmp6, $2  }
0x72: {  	_ =	sdelay $0x2  }
0x73: {  	s21 =	sadd.s32 $0x10, s21;
	[tilespmem:v2+s19+$0x0] =	vst.idx.add.f32.msk $0xffff, v1  }
.Ltmp7:
0x74: {  	_ = 	snop;
	(pc) =	sbr.rel .LBB2_6-.Ltmp7, $1  }
0x75: {  	_ =	sdelay $0x3  }
.LBB2_7:
0x76: {  	_ =	sfence.sel $0x180000  }
0x77: {  	[bflag:$0x0] =	sbarrier.arrive $0xFFFF  }
0x78: {  	p0 =	sne.s32 s2, $0x0;
	_ =	strace $0x90000047  }
0x79: {  	s0 =	sadd.s32 @!p0 $0x100000, s0;
	[bflag:$0x2] =	sbarrier.arrive $0xFFFF  }
0x7a: {  	[sflag:s0] =	ssyncadd.tile.s32 @!p0 $0x1;
	_ =	shalt  }
.Lfunc_end2:
_tile_overlayer_lowered:
.L_overlay_start_2:
0x7b: {  	(tag) =	ssettag $0x2  }
0x7c: {  	s0 =	rddreg [dreg:$0x0];
	s2 =	stileid.u32  }
0x7d: {  	s1 =	rddreg [dreg:$0x1];
	p0 =	sne.s32 s2, $0x0  }
0x7e: {  	s3 =	rddreg [dreg:$0x2];
	[bflag:$0x3] =	sbarrier.arrive $0xFFFF;
	s2 =	simm.s32 @!p0 $0x1C02  }
0x7f: {  	[timem:s3], [sflag:s2] =	dma.local @!p0 [hbm:s0], s1  }
0x80: {  	s0 =	simm.s32 @!p0 $0x2  }
0x81: {  	_ =	swait.ge @!p0 [sflag:s0], s1  }
0x82: {  	s1 =	ssub.s32 @!p0 $0x0, s1;
	[sflag:s0] =	ssyncset.done @!p0 $0x0  }
0x83: {  	[sflag:s0] =	ssyncadd.s32 @!p0 s1  }
0x84: {  	[bflag:$0x3] =	sbarrier.arrive $0xFFFF  }
0x85: {  	_ =	shalt  }

</sc_bundles>
